<compile_context>
chip_gen: v7x
topology: tpu7x:2x2x1
jax: 0.10.2.dev20260603
libtpu: 0.0.44.dev20260713+nightly
codegen_flags: <defaults>
</compile_context>

<pallas_src>
import jax
import jax.numpy as jnp
from jax import lax
from jax.experimental import pallas as pl
from jax.experimental.pallas import tpu as pltpu
from jax.experimental.pallas import tpu_sc as plsc

EMB = 1024
NC = 2
NS = 16
NW = NC * NS

B_TOTAL = 4 * 8192
B_PER_W = B_TOTAL // NW
CHUNK = 32
N_CHUNKS = B_PER_W // CHUNK
NBUF = 3


def _gather_body(idx_hbm, table_hbm, out_hbm,
                 idx_v, buf0, buf1, buf2, in0, in1, in2, out0, out1, out2):
    wid = lax.axis_index("s") * NC + lax.axis_index("c")
    base = wid * B_PER_W
    bufs = (buf0, buf1, buf2)
    insems = (in0, in1, in2)
    outsems = (out0, out1, out2)

    pltpu.sync_copy(
        idx_hbm.at[wid // 8, pl.ds((wid % 8) * B_PER_W, B_PER_W)], idx_v)

    def start_in(b, g):
        pltpu.async_copy(table_hbm.at[idx_v.at[pl.ds(g * CHUNK, CHUNK)]],
                         bufs[b], insems[b])

    def wait_in(b):
        pltpu.make_async_copy(table_hbm.at[idx_v.at[pl.ds(0, CHUNK)]],
                              bufs[b], insems[b]).wait()

    def start_out(b, g):
        pltpu.async_copy(bufs[b], out_hbm.at[pl.ds(base + g * CHUNK, CHUNK)],
                         outsems[b])

    def wait_out(b):
        pltpu.make_async_copy(out_hbm.at[pl.ds(base, CHUNK)], bufs[b],
                              outsems[b]).wait()

    def emit(g, b, first=False, startin=True):
        wait_in(b)
        if not first:
            wait_out((b + NBUF - 1) % NBUF)
        start_out(b, g)
        if startin:
            start_in((b + NBUF - 1) % NBUF, g + NBUF - 1)

    start_in(0, 0)
    start_in(1, 1)
    emit(0, 0, first=True)

    def triple_step(p, carry):
        g0 = 1 + 3 * p
        emit(g0, 1)
        emit(g0 + 1, 2)
        emit(g0 + 2, 0)
        return carry

    lax.fori_loop(0, 9, triple_step, 0)
    emit(28, 1)
    emit(29, 2)
    emit(30, 0, startin=False)
    emit(31, 1, startin=False)
    wait_out(1)


@jax.jit
def _gather_call(idx, table):
    mesh = plsc.VectorSubcoreMesh(
        core_axis_name="c", subcore_axis_name="s",
        num_cores=NC, num_subcores=NS)
    return pl.kernel(
        _gather_body,
        out_type=jax.ShapeDtypeStruct((B_TOTAL, EMB), jnp.float32),
        mesh=mesh,
        scratch_types=[
            pltpu.VMEM((B_PER_W,), jnp.int32),
            pltpu.VMEM((CHUNK, EMB), jnp.float32),
            pltpu.VMEM((CHUNK, EMB), jnp.float32),
            pltpu.VMEM((CHUNK, EMB), jnp.float32),
            pltpu.SemaphoreType.DMA,
            pltpu.SemaphoreType.DMA,
            pltpu.SemaphoreType.DMA,
            pltpu.SemaphoreType.DMA,
            pltpu.SemaphoreType.DMA,
            pltpu.SemaphoreType.DMA,
        ],
    )(idx, table)


def kernel(position_ids, embeddings_table):
    batch, seq = position_ids.shape
    out = _gather_call(position_ids, embeddings_table)
    return out.reshape(batch, seq, EMB)

# --- scband reference (transcript-rebuilt; emitter-appended) ---
"""Pipeline reference for scband-sinusoidal-positional-embedding-17746804868003 (READ-ONLY COPY).

The authoritative reference and input builder live on the scoring server;
editing this copy changes nothing except your own understanding.
"""

import jax, jax.numpy as jnp
import numpy as np

MAX_POSITION = 8192
EMBEDDING_SIZE = 1024
BATCH = 4
SEQ_LEN = 8192


def get_sinusoid_encoding_table(max_position, embedding_size):
    pos = np.arange(max_position, dtype=np.float64)[:, None]
    j = np.arange(embedding_size, dtype=np.float64)[None, :]
    angle = pos / np.power(10000.0, 2.0 * (np.floor(j / 2.0)) / embedding_size)
    table = angle.copy()
    table[:, 0::2] = np.sin(angle[:, 0::2])
    table[:, 1::2] = np.cos(angle[:, 1::2])
    return jnp.asarray(table, dtype=jnp.float32)


def setup_inputs(seed: int = 0) -> dict:
    key = jax.random.key(seed)
    k1, _ = jax.random.split(key)
    position_ids = jax.random.randint(k1, (BATCH, SEQ_LEN), 0, MAX_POSITION, dtype=jnp.int32)
    embeddings_table = get_sinusoid_encoding_table(MAX_POSITION, EMBEDDING_SIZE)
    return {"position_ids": position_ids, "embeddings_table": embeddings_table}


def reference(position_ids, embeddings_table):
    # nn.Embedding lookup -> gather rows of the (frozen) sinusoidal table
    return jnp.take(embeddings_table, position_ids, axis=0)

if __name__ == "__main__":
    import jax
    _d = setup_inputs()
    print(jax.jit(kernel)(*tuple(_d.values())))

</pallas_src>

<mosaic_0001>
#map = affine_map<(d0, d1) -> (0, 0)>
module attributes {stable_mosaic.version = 14 : i64} {
  func.func @_gather_body(%arg0: i32, %arg1: i32, %arg2: memref<4x8192xi32, #tpu.memory_space<hbm>>, %arg3: memref<8192x1024xf32, #tpu.memory_space<hbm>>, %arg4: memref<32768x1024xf32, #tpu.memory_space<hbm>>, %arg5: memref<1024xi32, #tpu.memory_space<vmem>>, %arg6: memref<32x1024xf32, #tpu.memory_space<vmem>>, %arg7: memref<32x1024xf32, #tpu.memory_space<vmem>>, %arg8: memref<32x1024xf32, #tpu.memory_space<vmem>>, %arg9: memref<!tpu.dma_semaphore, #tpu.memory_space<semaphore_mem>>, %arg10: memref<!tpu.dma_semaphore, #tpu.memory_space<semaphore_mem>>, %arg11: memref<!tpu.dma_semaphore, #tpu.memory_space<semaphore_mem>>, %arg12: memref<!tpu.dma_semaphore, #tpu.memory_space<semaphore_mem>>, %arg13: memref<!tpu.dma_semaphore, #tpu.memory_space<semaphore_mem>>, %arg14: memref<!tpu.dma_semaphore, #tpu.memory_space<semaphore_mem>>) attributes {dimension_semantics = [#tpu.dimension_semantics<core_parallel>, #tpu.dimension_semantics<subcore_parallel>], iteration_bounds = array<i64: 2, 16>, scalar_prefetch = 0 : i64, scratch_operands = 10 : i64, tpu.core_type = #tpu.core_type<sc_vector_subcore>, window_params = [{transform_indices = #map}, {transform_indices = #map}, {transform_indices = #map}]} {
    %mul3A = arith.constant 2 : i32
    %mul3A_0 = arith.muli %arg1, %mul3A : i32
    %add3A = arith.addi %mul3A_0, %arg0 : i32
    %mul3A_1 = arith.constant 1024 : i32
    %mul3A_2 = arith.muli %add3A, %mul3A_1 : i32
    %jit3A = arith.constant 8 : i32
    %div3A = arith.divsi %add3A, %jit3A : i32
    %sign3A = arith.constant 0 : i32
    %sign3A_3 = arith.cmpi sgt, %add3A, %sign3A : i32
    %sign3A_4 = arith.extui %sign3A_3 : i1 to i32
    %sign3A_5 = arith.constant 0 : i32
    %sign3A_6 = arith.cmpi slt, %add3A, %sign3A_5 : i32
    %sign3A_7 = arith.extui %sign3A_6 : i1 to i32
    %sign3A_8 = arith.subi %sign3A_4, %sign3A_7 : i32
    %sign3A_9 = arith.constant 0 : i32
    %sign3A_10 = arith.cmpi sgt, %jit3A, %sign3A_9 : i32
    %sign3A_11 = arith.extui %sign3A_10 : i1 to i32
    %sign3A_12 = arith.constant 0 : i32
    %sign3A_13 = arith.cmpi slt, %jit3A, %sign3A_12 : i32
    %sign3A_14 = arith.extui %sign3A_13 : i1 to i32
    %sign3A_15 = arith.subi %sign3A_11, %sign3A_14 : i32
    %ne3A = arith.cmpi ne, %sign3A_8, %sign3A_15 : i32
    %rem3A = arith.remsi %add3A, %jit3A : i32
    %ne3A_16 = arith.constant 0 : i32
    %ne3A_17 = arith.cmpi ne, %rem3A, %ne3A_16 : i32
    %and3A = arith.andi %ne3A, %ne3A_17 : i1
    %sub3A = arith.constant 1 : i32
    %sub3A_18 = arith.subi %div3A, %sub3A : i32
    %select_n3A = arith.select %and3A, %sub3A_18, %div3A : i32
    %jit3A_19 = arith.constant 8 : i32
    %eq3A = arith.constant 0 : i32
    %eq3A_20 = arith.cmpi eq, %jit3A_19, %eq3A : i32
    %jit3A_21 = arith.constant 1 : i32
    %select_n3A_22 = arith.select %eq3A_20, %jit3A_21, %jit3A_19 : i32
    %rem3A_23 = arith.remsi %add3A, %select_n3A_22 : i32
    %ne3A_24 = arith.constant 0 : i32
    %ne3A_25 = arith.cmpi ne, %rem3A_23, %ne3A_24 : i32
    %lt3A = arith.constant 0 : i32
    %lt3A_26 = arith.cmpi slt, %rem3A_23, %lt3A : i32
    %lt3A_27 = arith.constant 0 : i32
    %lt3A_28 = arith.cmpi slt, %select_n3A_22, %lt3A_27 : i32
    %ne3A_29 = arith.xori %lt3A_26, %lt3A_28 : i1
    %and3A_30 = arith.andi %ne3A_29, %ne3A_25 : i1
    %add3A_31 = arith.addi %rem3A_23, %select_n3A_22 : i32
    %select_n3A_32 = arith.select %and3A_30, %add3A_31, %rem3A_23 : i32
    %mul3A_33 = arith.constant 1024 : i32
    %mul3A_34 = arith.muli %select_n3A_32, %mul3A_33 : i32
    "tpu.region"() ({
      %run_scoped3A = tpu.sem_alloc : memref<!tpu.dma_semaphore, #tpu.memory_space<semaphore_mem>>
      %dma_start3A_138 = tpu.memref_slice %arg2[%select_n3A, %mul3A_34] : memref<4x8192xi32, #tpu.memory_space<hbm>> -> memref<1x1024xi32, #tpu.memory_space<hbm>>
      %dma_start3A_139 = tpu.memref_squeeze %dma_start3A_138 : memref<1x1024xi32, #tpu.memory_space<hbm>> -> memref<1024xi32, #tpu.memory_space<hbm>>
      %dma_start3A_140 = tpu.memref_slice %arg2[%select_n3A, %mul3A_34] : memref<4x8192xi32, #tpu.memory_space<hbm>> -> memref<1x1024xi32, #tpu.memory_space<hbm>>
      %dma_start3A_141 = tpu.memref_squeeze %dma_start3A_140 : memref<1x1024xi32, #tpu.memory_space<hbm>> -> memref<1024xi32, #tpu.memory_space<hbm>>
      tpu.enqueue_dma source(%dma_start3A_141 : memref<1024xi32, #tpu.memory_space<hbm>>) target(%arg5 : memref<1024xi32, #tpu.memory_space<vmem>>) target_semaphore(%run_scoped3A : memref<!tpu.dma_semaphore, #tpu.memory_space<semaphore_mem>>)
      %dma_wait3A_142 = tpu.memref_slice %arg2[%select_n3A, %mul3A_34] : memref<4x8192xi32, #tpu.memory_space<hbm>> -> memref<1x1024xi32, #tpu.memory_space<hbm>>
      %dma_wait3A_143 = tpu.memref_squeeze %dma_wait3A_142 : memref<1x1024xi32, #tpu.memory_space<hbm>> -> memref<1024xi32, #tpu.memory_space<hbm>>
      %dma_wait3A_144 = tpu.memref_slice %arg2[%select_n3A, %mul3A_34] : memref<4x8192xi32, #tpu.memory_space<hbm>> -> memref<1x1024xi32, #tpu.memory_space<hbm>>
      %dma_wait3A_145 = tpu.memref_squeeze %dma_wait3A_144 : memref<1x1024xi32, #tpu.memory_space<hbm>> -> memref<1024xi32, #tpu.memory_space<hbm>>
      tpu.wait_dma2 semaphore(%run_scoped3A : memref<!tpu.dma_semaphore, #tpu.memory_space<semaphore_mem>>) src(%dma_wait3A_145 : memref<1024xi32, #tpu.memory_space<hbm>>) dst(%arg5 : memref<1024xi32, #tpu.memory_space<vmem>>)
      tpu.yield
    }) : () -> ()
    %dma_start3A = arith.constant 0 : i32
    %dma_start3A_35 = tpu.memref_slice %arg5[%dma_start3A] : memref<1024xi32, #tpu.memory_space<vmem>> -> memref<32xi32, #tpu.memory_space<vmem>>
    %dma_start3A_36 = arith.constant 0 : i32
    %dma_start3A_37 = arith.constant 0 : i32
    %dma_start3A_38 = tpu.memref_slice %arg3[%dma_start3A_36, %dma_start3A_37] : memref<8192x1024xf32, #tpu.memory_space<hbm>> -> memref<8192x1024xf32, #tpu.memory_space<hbm>>
    tpu.enqueue_indirect_dma source(%dma_start3A_38 : memref<8192x1024xf32, #tpu.memory_space<hbm>>) target(%arg6 : memref<32x1024xf32, #tpu.memory_space<vmem>>) offsets(%dma_start3A_35 : memref<32xi32, #tpu.memory_space<vmem>>) semaphore(%arg9 : memref<!tpu.dma_semaphore, #tpu.memory_space<semaphore_mem>>)
    %dma_start3A_39 = arith.constant 32 : i32
    %dma_start3A_40 = tpu.memref_slice %arg5[%dma_start3A_39] : memref<1024xi32, #tpu.memory_space<vmem>> -> memref<32xi32, #tpu.memory_space<vmem>>
    %dma_start3A_41 = arith.constant 0 : i32
    %dma_start3A_42 = arith.constant 0 : i32
    %dma_start3A_43 = tpu.memref_slice %arg3[%dma_start3A_41, %dma_start3A_42] : memref<8192x1024xf32, #tpu.memory_space<hbm>> -> memref<8192x1024xf32, #tpu.memory_space<hbm>>
    tpu.enqueue_indirect_dma source(%dma_start3A_43 : memref<8192x1024xf32, #tpu.memory_space<hbm>>) target(%arg7 : memref<32x1024xf32, #tpu.memory_space<vmem>>) offsets(%dma_start3A_40 : memref<32xi32, #tpu.memory_space<vmem>>) semaphore(%arg10 : memref<!tpu.dma_semaphore, #tpu.memory_space<semaphore_mem>>)
    %dma_wait3A = arith.constant 0 : i32
    %dma_wait3A_44 = tpu.memref_slice %arg5[%dma_wait3A] : memref<1024xi32, #tpu.memory_space<vmem>> -> memref<32xi32, #tpu.memory_space<vmem>>
    %dma_wait3A_45 = arith.constant 0 : i32
    %dma_wait3A_46 = arith.constant 0 : i32
    %dma_wait3A_47 = tpu.memref_slice %arg3[%dma_wait3A_45, %dma_wait3A_46] : memref<8192x1024xf32, #tpu.memory_space<hbm>> -> memref<8192x1024xf32, #tpu.memory_space<hbm>>
    tpu.wait_indirect_dma semaphore(%arg9 : memref<!tpu.dma_semaphore, #tpu.memory_space<semaphore_mem>>) src(%dma_wait3A_47 : memref<8192x1024xf32, #tpu.memory_space<hbm>>) dst(%arg6 : memref<32x1024xf32, #tpu.memory_space<vmem>>)
    %add3A_48 = arith.constant 0 : i32
    %add3A_49 = arith.addi %mul3A_2, %add3A_48 : i32
    %dma_start3A_50 = arith.constant 0 : i32
    %dma_start3A_51 = tpu.memref_slice %arg4[%add3A_49, %dma_start3A_50] : memref<32768x1024xf32, #tpu.memory_space<hbm>> -> memref<32x1024xf32, #tpu.memory_space<hbm>>
    %dma_start3A_52 = arith.constant 0 : i32
    %dma_start3A_53 = tpu.memref_slice %arg4[%add3A_49, %dma_start3A_52] : memref<32768x1024xf32, #tpu.memory_space<hbm>> -> memref<32x1024xf32, #tpu.memory_space<hbm>>
    tpu.enqueue_dma source(%arg6 : memref<32x1024xf32, #tpu.memory_space<vmem>>) target(%dma_start3A_53 : memref<32x1024xf32, #tpu.memory_space<hbm>>) target_semaphore(%arg12 : memref<!tpu.dma_semaphore, #tpu.memory_space<semaphore_mem>>)
    %dma_start3A_54 = arith.constant 64 : i32
    %dma_start3A_55 = tpu.memref_slice %arg5[%dma_start3A_54] : memref<1024xi32, #tpu.memory_space<vmem>> -> memref<32xi32, #tpu.memory_space<vmem>>
    %dma_start3A_56 = arith.constant 0 : i32
    %dma_start3A_57 = arith.constant 0 : i32
    %dma_start3A_58 = tpu.memref_slice %arg3[%dma_start3A_56, %dma_start3A_57] : memref<8192x1024xf32, #tpu.memory_space<hbm>> -> memref<8192x1024xf32, #tpu.memory_space<hbm>>
    tpu.enqueue_indirect_dma source(%dma_start3A_58 : memref<8192x1024xf32, #tpu.memory_space<hbm>>) target(%arg8 : memref<32x1024xf32, #tpu.memory_space<vmem>>) offsets(%dma_start3A_55 : memref<32xi32, #tpu.memory_space<vmem>>) semaphore(%arg11 : memref<!tpu.dma_semaphore, #tpu.memory_space<semaphore_mem>>)
    %scan3A = arith.constant 0 : i32
    %scan3A_59 = arith.constant 0 : i32
    %scan3A_60 = arith.constant 9 : i32
    %scan3A_61 = arith.addi %scan3A_59, %scan3A_60 : i32
    %scan3A_62 = arith.constant 1 : i32
    scf.for %scan3A_138 = %scan3A_59 to %scan3A_61 step %scan3A_62  : i32 {
      %mul3A_139 = arith.constant 3 : i32
      %mul3A_140 = arith.muli %mul3A_139, %scan3A_138 : i32
      %add3A_141 = arith.constant 1 : i32
      %add3A_142 = arith.addi %add3A_141, %mul3A_140 : i32
      %dma_wait3A_143 = arith.constant 0 : i32
      %dma_wait3A_144 = tpu.memref_slice %arg5[%dma_wait3A_143] : memref<1024xi32, #tpu.memory_space<vmem>> -> memref<32xi32, #tpu.memory_space<vmem>>
      %dma_wait3A_145 = arith.constant 0 : i32
      %dma_wait3A_146 = arith.constant 0 : i32
      %dma_wait3A_147 = tpu.memref_slice %arg3[%dma_wait3A_145, %dma_wait3A_146] : memref<8192x1024xf32, #tpu.memory_space<hbm>> -> memref<8192x1024xf32, #tpu.memory_space<hbm>>
      tpu.wait_indirect_dma semaphore(%arg10 : memref<!tpu.dma_semaphore, #tpu.memory_space<semaphore_mem>>) src(%dma_wait3A_147 : memref<8192x1024xf32, #tpu.memory_space<hbm>>) dst(%arg7 : memref<32x1024xf32, #tpu.memory_space<vmem>>)
      %dma_wait3A_148 = arith.constant 0 : i32
      %dma_wait3A_149 = tpu.memref_slice %arg4[%mul3A_2, %dma_wait3A_148] : memref<32768x1024xf32, #tpu.memory_space<hbm>> -> memref<32x1024xf32, #tpu.memory_space<hbm>>
      %dma_wait3A_150 = arith.constant 0 : i32
      %dma_wait3A_151 = tpu.memref_slice %arg4[%mul3A_2, %dma_wait3A_150] : memref<32768x1024xf32, #tpu.memory_space<hbm>> -> memref<32x1024xf32, #tpu.memory_space<hbm>>
      tpu.wait_dma2 semaphore(%arg12 : memref<!tpu.dma_semaphore, #tpu.memory_space<semaphore_mem>>) src(%dma_wait3A_151 : memref<32x1024xf32, #tpu.memory_space<hbm>>) dst(%arg6 : memref<32x1024xf32, #tpu.memory_space<vmem>>)
      %mul3A_152 = arith.constant 32 : i32
      %mul3A_153 = arith.muli %add3A_142, %mul3A_152 : i32
      %add3A_154 = arith.addi %mul3A_2, %mul3A_153 : i32
      %dma_start3A_155 = arith.constant 0 : i32
      %dma_start3A_156 = tpu.memref_slice %arg4[%add3A_154, %dma_start3A_155] : memref<32768x1024xf32, #tpu.memory_space<hbm>> -> memref<32x1024xf32, #tpu.memory_space<hbm>>
      %dma_start3A_157 = arith.constant 0 : i32
      %dma_start3A_158 = tpu.memref_slice %arg4[%add3A_154, %dma_start3A_157] : memref<32768x1024xf32, #tpu.memory_space<hbm>> -> memref<32x1024xf32, #tpu.memory_space<hbm>>
      tpu.enqueue_dma source(%arg7 : memref<32x1024xf32, #tpu.memory_space<vmem>>) target(%dma_start3A_158 : memref<32x1024xf32, #tpu.memory_space<hbm>>) target_semaphore(%arg13 : memref<!tpu.dma_semaphore, #tpu.memory_space<semaphore_mem>>)
      %add3A_159 = arith.constant 3 : i32
      %add3A_160 = arith.addi %add3A_142, %add3A_159 : i32
      %sub3A_161 = arith.constant 1 : i32
      %sub3A_162 = arith.subi %add3A_160, %sub3A_161 : i32
      %mul3A_163 = arith.constant 32 : i32
      %mul3A_164 = arith.muli %sub3A_162, %mul3A_163 : i32
      %dma_start3A_165 = tpu.memref_slice %arg5[%mul3A_164] : memref<1024xi32, #tpu.memory_space<vmem>> -> memref<32xi32, #tpu.memory_space<vmem>>
      %dma_start3A_166 = arith.constant 0 : i32
      %dma_start3A_167 = arith.constant 0 : i32
      %dma_start3A_168 = tpu.memref_slice %arg3[%dma_start3A_166, %dma_start3A_167] : memref<8192x1024xf32, #tpu.memory_space<hbm>> -> memref<8192x1024xf32, #tpu.memory_space<hbm>>
      tpu.enqueue_indirect_dma source(%dma_start3A_168 : memref<8192x1024xf32, #tpu.memory_space<hbm>>) target(%arg6 : memref<32x1024xf32, #tpu.memory_space<vmem>>) offsets(%dma_start3A_165 : memref<32xi32, #tpu.memory_space<vmem>>) semaphore(%arg9 : memref<!tpu.dma_semaphore, #tpu.memory_space<semaphore_mem>>)
      %add3A_169 = arith.constant 1 : i32
      %add3A_170 = arith.addi %add3A_142, %add3A_169 : i32
      %dma_wait3A_171 = arith.constant 0 : i32
      %dma_wait3A_172 = tpu.memref_slice %arg5[%dma_wait3A_171] : memref<1024xi32, #tpu.memory_space<vmem>> -> memref<32xi32, #tpu.memory_space<vmem>>
      %dma_wait3A_173 = arith.constant 0 : i32
      %dma_wait3A_174 = arith.constant 0 : i32
      %dma_wait3A_175 = tpu.memref_slice %arg3[%dma_wait3A_173, %dma_wait3A_174] : memref<8192x1024xf32, #tpu.memory_space<hbm>> -> memref<8192x1024xf32, #tpu.memory_space<hbm>>
      tpu.wait_indirect_dma semaphore(%arg11 : memref<!tpu.dma_semaphore, #tpu.memory_space<semaphore_mem>>) src(%dma_wait3A_175 : memref<8192x1024xf32, #tpu.memory_space<hbm>>) dst(%arg8 : memref<32x1024xf32, #tpu.memory_space<vmem>>)
      %dma_wait3A_176 = arith.constant 0 : i32
      %dma_wait3A_177 = tpu.memref_slice %arg4[%mul3A_2, %dma_wait3A_176] : memref<32768x1024xf32, #tpu.memory_space<hbm>> -> memref<32x1024xf32, #tpu.memory_space<hbm>>
      %dma_wait3A_178 = arith.constant 0 : i32
      %dma_wait3A_179 = tpu.memref_slice %arg4[%mul3A_2, %dma_wait3A_178] : memref<32768x1024xf32, #tpu.memory_space<hbm>> -> memref<32x1024xf32, #tpu.memory_space<hbm>>
      tpu.wait_dma2 semaphore(%arg13 : memref<!tpu.dma_semaphore, #tpu.memory_space<semaphore_mem>>) src(%dma_wait3A_179 : memref<32x1024xf32, #tpu.memory_space<hbm>>) dst(%arg7 : memref<32x1024xf32, #tpu.memory_space<vmem>>)
      %mul3A_180 = arith.constant 32 : i32
      %mul3A_181 = arith.muli %add3A_170, %mul3A_180 : i32
      %add3A_182 = arith.addi %mul3A_2, %mul3A_181 : i32
      %dma_start3A_183 = arith.constant 0 : i32
      %dma_start3A_184 = tpu.memref_slice %arg4[%add3A_182, %dma_start3A_183] : memref<32768x1024xf32, #tpu.memory_space<hbm>> -> memref<32x1024xf32, #tpu.memory_space<hbm>>
      %dma_start3A_185 = arith.constant 0 : i32
      %dma_start3A_186 = tpu.memref_slice %arg4[%add3A_182, %dma_start3A_185] : memref<32768x1024xf32, #tpu.memory_space<hbm>> -> memref<32x1024xf32, #tpu.memory_space<hbm>>
      tpu.enqueue_dma source(%arg8 : memref<32x1024xf32, #tpu.memory_space<vmem>>) target(%dma_start3A_186 : memref<32x1024xf32, #tpu.memory_space<hbm>>) target_semaphore(%arg14 : memref<!tpu.dma_semaphore, #tpu.memory_space<semaphore_mem>>)
      %add3A_187 = arith.constant 3 : i32
      %add3A_188 = arith.addi %add3A_170, %add3A_187 : i32
      %sub3A_189 = arith.constant 1 : i32
      %sub3A_190 = arith.subi %add3A_188, %sub3A_189 : i32
      %mul3A_191 = arith.constant 32 : i32
      %mul3A_192 = arith.muli %sub3A_190, %mul3A_191 : i32
      %dma_start3A_193 = tpu.memref_slice %arg5[%mul3A_192] : memref<1024xi32, #tpu.memory_space<vmem>> -> memref<32xi32, #tpu.memory_space<vmem>>
      %dma_start3A_194 = arith.constant 0 : i32
      %dma_start3A_195 = arith.constant 0 : i32
      %dma_start3A_196 = tpu.memref_slice %arg3[%dma_start3A_194, %dma_start3A_195] : memref<8192x1024xf32, #tpu.memory_space<hbm>> -> memref<8192x1024xf32, #tpu.memory_space<hbm>>
      tpu.enqueue_indirect_dma source(%dma_start3A_196 : memref<8192x1024xf32, #tpu.memory_space<hbm>>) target(%arg7 : memref<32x1024xf32, #tpu.memory_space<vmem>>) offsets(%dma_start3A_193 : memref<32xi32, #tpu.memory_space<vmem>>) semaphore(%arg10 : memref<!tpu.dma_semaphore, #tpu.memory_space<semaphore_mem>>)
      %add3A_197 = arith.constant 2 : i32
      %add3A_198 = arith.addi %add3A_142, %add3A_197 : i32
      %dma_wait3A_199 = arith.constant 0 : i32
      %dma_wait3A_200 = tpu.memref_slice %arg5[%dma_wait3A_199] : memref<1024xi32, #tpu.memory_space<vmem>> -> memref<32xi32, #tpu.memory_space<vmem>>
      %dma_wait3A_201 = arith.constant 0 : i32
      %dma_wait3A_202 = arith.constant 0 : i32
      %dma_wait3A_203 = tpu.memref_slice %arg3[%dma_wait3A_201, %dma_wait3A_202] : memref<8192x1024xf32, #tpu.memory_space<hbm>> -> memref<8192x1024xf32, #tpu.memory_space<hbm>>
      tpu.wait_indirect_dma semaphore(%arg9 : memref<!tpu.dma_semaphore, #tpu.memory_space<semaphore_mem>>) src(%dma_wait3A_203 : memref<8192x1024xf32, #tpu.memory_space<hbm>>) dst(%arg6 : memref<32x1024xf32, #tpu.memory_space<vmem>>)
      %dma_wait3A_204 = arith.constant 0 : i32
      %dma_wait3A_205 = tpu.memref_slice %arg4[%mul3A_2, %dma_wait3A_204] : memref<32768x1024xf32, #tpu.memory_space<hbm>> -> memref<32x1024xf32, #tpu.memory_space<hbm>>
      %dma_wait3A_206 = arith.constant 0 : i32
      %dma_wait3A_207 = tpu.memref_slice %arg4[%mul3A_2, %dma_wait3A_206] : memref<32768x1024xf32, #tpu.memory_space<hbm>> -> memref<32x1024xf32, #tpu.memory_space<hbm>>
      tpu.wait_dma2 semaphore(%arg14 : memref<!tpu.dma_semaphore, #tpu.memory_space<semaphore_mem>>) src(%dma_wait3A_207 : memref<32x1024xf32, #tpu.memory_space<hbm>>) dst(%arg8 : memref<32x1024xf32, #tpu.memory_space<vmem>>)
      %mul3A_208 = arith.constant 32 : i32
      %mul3A_209 = arith.muli %add3A_198, %mul3A_208 : i32
      %add3A_210 = arith.addi %mul3A_2, %mul3A_209 : i32
      %dma_start3A_211 = arith.constant 0 : i32
      %dma_start3A_212 = tpu.memref_slice %arg4[%add3A_210, %dma_start3A_211] : memref<32768x1024xf32, #tpu.memory_space<hbm>> -> memref<32x1024xf32, #tpu.memory_space<hbm>>
      %dma_start3A_213 = arith.constant 0 : i32
      %dma_start3A_214 = tpu.memref_slice %arg4[%add3A_210, %dma_start3A_213] : memref<32768x1024xf32, #tpu.memory_space<hbm>> -> memref<32x1024xf32, #tpu.memory_space<hbm>>
      tpu.enqueue_dma source(%arg6 : memref<32x1024xf32, #tpu.memory_space<vmem>>) target(%dma_start3A_214 : memref<32x1024xf32, #tpu.memory_space<hbm>>) target_semaphore(%arg12 : memref<!tpu.dma_semaphore, #tpu.memory_space<semaphore_mem>>)
      %add3A_215 = arith.constant 3 : i32
      %add3A_216 = arith.addi %add3A_198, %add3A_215 : i32
      %sub3A_217 = arith.constant 1 : i32
      %sub3A_218 = arith.subi %add3A_216, %sub3A_217 : i32
      %mul3A_219 = arith.constant 32 : i32
      %mul3A_220 = arith.muli %sub3A_218, %mul3A_219 : i32
      %dma_start3A_221 = tpu.memref_slice %arg5[%mul3A_220] : memref<1024xi32, #tpu.memory_space<vmem>> -> memref<32xi32, #tpu.memory_space<vmem>>
      %dma_start3A_222 = arith.constant 0 : i32
      %dma_start3A_223 = arith.constant 0 : i32
      %dma_start3A_224 = tpu.memref_slice %arg3[%dma_start3A_222, %dma_start3A_223] : memref<8192x1024xf32, #tpu.memory_space<hbm>> -> memref<8192x1024xf32, #tpu.memory_space<hbm>>
      tpu.enqueue_indirect_dma source(%dma_start3A_224 : memref<8192x1024xf32, #tpu.memory_space<hbm>>) target(%arg8 : memref<32x1024xf32, #tpu.memory_space<vmem>>) offsets(%dma_start3A_221 : memref<32xi32, #tpu.memory_space<vmem>>) semaphore(%arg11 : memref<!tpu.dma_semaphore, #tpu.memory_space<semaphore_mem>>)
    }
    %scan3A_63 = arith.constant 9 : i32
    %dma_wait3A_64 = arith.constant 0 : i32
    %dma_wait3A_65 = tpu.memref_slice %arg5[%dma_wait3A_64] : memref<1024xi32, #tpu.memory_space<vmem>> -> memref<32xi32, #tpu.memory_space<vmem>>
    %dma_wait3A_66 = arith.constant 0 : i32
    %dma_wait3A_67 = arith.constant 0 : i32
    %dma_wait3A_68 = tpu.memref_slice %arg3[%dma_wait3A_66, %dma_wait3A_67] : memref<8192x1024xf32, #tpu.memory_space<hbm>> -> memref<8192x1024xf32, #tpu.memory_space<hbm>>
    tpu.wait_indirect_dma semaphore(%arg10 : memref<!tpu.dma_semaphore, #tpu.memory_space<semaphore_mem>>) src(%dma_wait3A_68 : memref<8192x1024xf32, #tpu.memory_space<hbm>>) dst(%arg7 : memref<32x1024xf32, #tpu.memory_space<vmem>>)
    %dma_wait3A_69 = arith.constant 0 : i32
    %dma_wait3A_70 = tpu.memref_slice %arg4[%mul3A_2, %dma_wait3A_69] : memref<32768x1024xf32, #tpu.memory_space<hbm>> -> memref<32x1024xf32, #tpu.memory_space<hbm>>
    %dma_wait3A_71 = arith.constant 0 : i32
    %dma_wait3A_72 = tpu.memref_slice %arg4[%mul3A_2, %dma_wait3A_71] : memref<32768x1024xf32, #tpu.memory_space<hbm>> -> memref<32x1024xf32, #tpu.memory_space<hbm>>
    tpu.wait_dma2 semaphore(%arg12 : memref<!tpu.dma_semaphore, #tpu.memory_space<semaphore_mem>>) src(%dma_wait3A_72 : memref<32x1024xf32, #tpu.memory_space<hbm>>) dst(%arg6 : memref<32x1024xf32, #tpu.memory_space<vmem>>)
    %add3A_73 = arith.constant 896 : i32
    %add3A_74 = arith.addi %mul3A_2, %add3A_73 : i32
    %dma_start3A_75 = arith.constant 0 : i32
    %dma_start3A_76 = tpu.memref_slice %arg4[%add3A_74, %dma_start3A_75] : memref<32768x1024xf32, #tpu.memory_space<hbm>> -> memref<32x1024xf32, #tpu.memory_space<hbm>>
    %dma_start3A_77 = arith.constant 0 : i32
    %dma_start3A_78 = tpu.memref_slice %arg4[%add3A_74, %dma_start3A_77] : memref<32768x1024xf32, #tpu.memory_space<hbm>> -> memref<32x1024xf32, #tpu.memory_space<hbm>>
    tpu.enqueue_dma source(%arg7 : memref<32x1024xf32, #tpu.memory_space<vmem>>) target(%dma_start3A_78 : memref<32x1024xf32, #tpu.memory_space<hbm>>) target_semaphore(%arg13 : memref<!tpu.dma_semaphore, #tpu.memory_space<semaphore_mem>>)
    %dma_start3A_79 = arith.constant 960 : i32
    %dma_start3A_80 = tpu.memref_slice %arg5[%dma_start3A_79] : memref<1024xi32, #tpu.memory_space<vmem>> -> memref<32xi32, #tpu.memory_space<vmem>>
    %dma_start3A_81 = arith.constant 0 : i32
    %dma_start3A_82 = arith.constant 0 : i32
    %dma_start3A_83 = tpu.memref_slice %arg3[%dma_start3A_81, %dma_start3A_82] : memref<8192x1024xf32, #tpu.memory_space<hbm>> -> memref<8192x1024xf32, #tpu.memory_space<hbm>>
    tpu.enqueue_indirect_dma source(%dma_start3A_83 : memref<8192x1024xf32, #tpu.memory_space<hbm>>) target(%arg6 : memref<32x1024xf32, #tpu.memory_space<vmem>>) offsets(%dma_start3A_80 : memref<32xi32, #tpu.memory_space<vmem>>) semaphore(%arg9 : memref<!tpu.dma_semaphore, #tpu.memory_space<semaphore_mem>>)
    %dma_wait3A_84 = arith.constant 0 : i32
    %dma_wait3A_85 = tpu.memref_slice %arg5[%dma_wait3A_84] : memref<1024xi32, #tpu.memory_space<vmem>> -> memref<32xi32, #tpu.memory_space<vmem>>
    %dma_wait3A_86 = arith.constant 0 : i32
    %dma_wait3A_87 = arith.constant 0 : i32
    %dma_wait3A_88 = tpu.memref_slice %arg3[%dma_wait3A_86, %dma_wait3A_87] : memref<8192x1024xf32, #tpu.memory_space<hbm>> -> memref<8192x1024xf32, #tpu.memory_space<hbm>>
    tpu.wait_indirect_dma semaphore(%arg11 : memref<!tpu.dma_semaphore, #tpu.memory_space<semaphore_mem>>) src(%dma_wait3A_88 : memref<8192x1024xf32, #tpu.memory_space<hbm>>) dst(%arg8 : memref<32x1024xf32, #tpu.memory_space<vmem>>)
    %dma_wait3A_89 = arith.constant 0 : i32
    %dma_wait3A_90 = tpu.memref_slice %arg4[%mul3A_2, %dma_wait3A_89] : memref<32768x1024xf32, #tpu.memory_space<hbm>> -> memref<32x1024xf32, #tpu.memory_space<hbm>>
    %dma_wait3A_91 = arith.constant 0 : i32
    %dma_wait3A_92 = tpu.memref_slice %arg4[%mul3A_2, %dma_wait3A_91] : memref<32768x1024xf32, #tpu.memory_space<hbm>> -> memref<32x1024xf32, #tpu.memory_space<hbm>>
    tpu.wait_dma2 semaphore(%arg13 : memref<!tpu.dma_semaphore, #tpu.memory_space<semaphore_mem>>) src(%dma_wait3A_92 : memref<32x1024xf32, #tpu.memory_space<hbm>>) dst(%arg7 : memref<32x1024xf32, #tpu.memory_space<vmem>>)
    %add3A_93 = arith.constant 928 : i32
    %add3A_94 = arith.addi %mul3A_2, %add3A_93 : i32
    %dma_start3A_95 = arith.constant 0 : i32
    %dma_start3A_96 = tpu.memref_slice %arg4[%add3A_94, %dma_start3A_95] : memref<32768x1024xf32, #tpu.memory_space<hbm>> -> memref<32x1024xf32, #tpu.memory_space<hbm>>
    %dma_start3A_97 = arith.constant 0 : i32
    %dma_start3A_98 = tpu.memref_slice %arg4[%add3A_94, %dma_start3A_97] : memref<32768x1024xf32, #tpu.memory_space<hbm>> -> memref<32x1024xf32, #tpu.memory_space<hbm>>
    tpu.enqueue_dma source(%arg8 : memref<32x1024xf32, #tpu.memory_space<vmem>>) target(%dma_start3A_98 : memref<32x1024xf32, #tpu.memory_space<hbm>>) target_semaphore(%arg14 : memref<!tpu.dma_semaphore, #tpu.memory_space<semaphore_mem>>)
    %dma_start3A_99 = arith.constant 992 : i32
    %dma_start3A_100 = tpu.memref_slice %arg5[%dma_start3A_99] : memref<1024xi32, #tpu.memory_space<vmem>> -> memref<32xi32, #tpu.memory_space<vmem>>
    %dma_start3A_101 = arith.constant 0 : i32
    %dma_start3A_102 = arith.constant 0 : i32
    %dma_start3A_103 = tpu.memref_slice %arg3[%dma_start3A_101, %dma_start3A_102] : memref<8192x1024xf32, #tpu.memory_space<hbm>> -> memref<8192x1024xf32, #tpu.memory_space<hbm>>
    tpu.enqueue_indirect_dma source(%dma_start3A_103 : memref<8192x1024xf32, #tpu.memory_space<hbm>>) target(%arg7 : memref<32x1024xf32, #tpu.memory_space<vmem>>) offsets(%dma_start3A_100 : memref<32xi32, #tpu.memory_space<vmem>>) semaphore(%arg10 : memref<!tpu.dma_semaphore, #tpu.memory_space<semaphore_mem>>)
    %dma_wait3A_104 = arith.constant 0 : i32
    %dma_wait3A_105 = tpu.memref_slice %arg5[%dma_wait3A_104] : memref<1024xi32, #tpu.memory_space<vmem>> -> memref<32xi32, #tpu.memory_space<vmem>>
    %dma_wait3A_106 = arith.constant 0 : i32
    %dma_wait3A_107 = arith.constant 0 : i32
    %dma_wait3A_108 = tpu.memref_slice %arg3[%dma_wait3A_106, %dma_wait3A_107] : memref<8192x1024xf32, #tpu.memory_space<hbm>> -> memref<8192x1024xf32, #tpu.memory_space<hbm>>
    tpu.wait_indirect_dma semaphore(%arg9 : memref<!tpu.dma_semaphore, #tpu.memory_space<semaphore_mem>>) src(%dma_wait3A_108 : memref<8192x1024xf32, #tpu.memory_space<hbm>>) dst(%arg6 : memref<32x1024xf32, #tpu.memory_space<vmem>>)
    %dma_wait3A_109 = arith.constant 0 : i32
    %dma_wait3A_110 = tpu.memref_slice %arg4[%mul3A_2, %dma_wait3A_109] : memref<32768x1024xf32, #tpu.memory_space<hbm>> -> memref<32x1024xf32, #tpu.memory_space<hbm>>
    %dma_wait3A_111 = arith.constant 0 : i32
    %dma_wait3A_112 = tpu.memref_slice %arg4[%mul3A_2, %dma_wait3A_111] : memref<32768x1024xf32, #tpu.memory_space<hbm>> -> memref<32x1024xf32, #tpu.memory_space<hbm>>
    tpu.wait_dma2 semaphore(%arg14 : memref<!tpu.dma_semaphore, #tpu.memory_space<semaphore_mem>>) src(%dma_wait3A_112 : memref<32x1024xf32, #tpu.memory_space<hbm>>) dst(%arg8 : memref<32x1024xf32, #tpu.memory_space<vmem>>)
    %add3A_113 = arith.constant 960 : i32
    %add3A_114 = arith.addi %mul3A_2, %add3A_113 : i32
    %dma_start3A_115 = arith.constant 0 : i32
    %dma_start3A_116 = tpu.memref_slice %arg4[%add3A_114, %dma_start3A_115] : memref<32768x1024xf32, #tpu.memory_space<hbm>> -> memref<32x1024xf32, #tpu.memory_space<hbm>>
    %dma_start3A_117 = arith.constant 0 : i32
    %dma_start3A_118 = tpu.memref_slice %arg4[%add3A_114, %dma_start3A_117] : memref<32768x1024xf32, #tpu.memory_space<hbm>> -> memref<32x1024xf32, #tpu.memory_space<hbm>>
    tpu.enqueue_dma source(%arg6 : memref<32x1024xf32, #tpu.memory_space<vmem>>) target(%dma_start3A_118 : memref<32x1024xf32, #tpu.memory_space<hbm>>) target_semaphore(%arg12 : memref<!tpu.dma_semaphore, #tpu.memory_space<semaphore_mem>>)
    %dma_wait3A_119 = arith.constant 0 : i32
    %dma_wait3A_120 = tpu.memref_slice %arg5[%dma_wait3A_119] : memref<1024xi32, #tpu.memory_space<vmem>> -> memref<32xi32, #tpu.memory_space<vmem>>
    %dma_wait3A_121 = arith.constant 0 : i32
    %dma_wait3A_122 = arith.constant 0 : i32
    %dma_wait3A_123 = tpu.memref_slice %arg3[%dma_wait3A_121, %dma_wait3A_122] : memref<8192x1024xf32, #tpu.memory_space<hbm>> -> memref<8192x1024xf32, #tpu.memory_space<hbm>>
    tpu.wait_indirect_dma semaphore(%arg10 : memref<!tpu.dma_semaphore, #tpu.memory_space<semaphore_mem>>) src(%dma_wait3A_123 : memref<8192x1024xf32, #tpu.memory_space<hbm>>) dst(%arg7 : memref<32x1024xf32, #tpu.memory_space<vmem>>)
    %dma_wait3A_124 = arith.constant 0 : i32
    %dma_wait3A_125 = tpu.memref_slice %arg4[%mul3A_2, %dma_wait3A_124] : memref<32768x1024xf32, #tpu.memory_space<hbm>> -> memref<32x1024xf32, #tpu.memory_space<hbm>>
    %dma_wait3A_126 = arith.constant 0 : i32
    %dma_wait3A_127 = tpu.memref_slice %arg4[%mul3A_2, %dma_wait3A_126] : memref<32768x1024xf32, #tpu.memory_space<hbm>> -> memref<32x1024xf32, #tpu.memory_space<hbm>>
    tpu.wait_dma2 semaphore(%arg12 : memref<!tpu.dma_semaphore, #tpu.memory_space<semaphore_mem>>) src(%dma_wait3A_127 : memref<32x1024xf32, #tpu.memory_space<hbm>>) dst(%arg6 : memref<32x1024xf32, #tpu.memory_space<vmem>>)
    %add3A_128 = arith.constant 992 : i32
    %add3A_129 = arith.addi %mul3A_2, %add3A_128 : i32
    %dma_start3A_130 = arith.constant 0 : i32
    %dma_start3A_131 = tpu.memref_slice %arg4[%add3A_129, %dma_start3A_130] : memref<32768x1024xf32, #tpu.memory_space<hbm>> -> memref<32x1024xf32, #tpu.memory_space<hbm>>
    %dma_start3A_132 = arith.constant 0 : i32
    %dma_start3A_133 = tpu.memref_slice %arg4[%add3A_129, %dma_start3A_132] : memref<32768x1024xf32, #tpu.memory_space<hbm>> -> memref<32x1024xf32, #tpu.memory_space<hbm>>
    tpu.enqueue_dma source(%arg7 : memref<32x1024xf32, #tpu.memory_space<vmem>>) target(%dma_start3A_133 : memref<32x1024xf32, #tpu.memory_space<hbm>>) target_semaphore(%arg13 : memref<!tpu.dma_semaphore, #tpu.memory_space<semaphore_mem>>)
    %dma_wait3A_134 = arith.constant 0 : i32
    %dma_wait3A_135 = tpu.memref_slice %arg4[%mul3A_2, %dma_wait3A_134] : memref<32768x1024xf32, #tpu.memory_space<hbm>> -> memref<32x1024xf32, #tpu.memory_space<hbm>>
    %dma_wait3A_136 = arith.constant 0 : i32
    %dma_wait3A_137 = tpu.memref_slice %arg4[%mul3A_2, %dma_wait3A_136] : memref<32768x1024xf32, #tpu.memory_space<hbm>> -> memref<32x1024xf32, #tpu.memory_space<hbm>>
    tpu.wait_dma2 semaphore(%arg13 : memref<!tpu.dma_semaphore, #tpu.memory_space<semaphore_mem>>) src(%dma_wait3A_137 : memref<32x1024xf32, #tpu.memory_space<hbm>>) dst(%arg7 : memref<32x1024xf32, #tpu.memory_space<vmem>>)
    return
  }
}

</mosaic_0001>

<sc_bundles>
// kernel: _gather_call.3.cloned.1.call-start
scs
__scs_entry_jumppad:
0x0: {  	(pc) =	sbr.rel $0x88, $3  }
0x1: {  	(tag) =	ssettag $0x0;
	lr =	simm.s32 $0x1  }
0x2: {  	[smem:$0x3F9F] =	sst lr;
	_ =	strace $0xD0000000  }
0x3: {  	_ = 	snop  }
0x4: {  	_ = 	snop  }
0x5: {  	_ = 	snop  }
0x6: {  	_ = 	snop  }
0x7: {  	_ = 	snop  }
__scs_overlays_trampoline_lowered:
0x8: {  	[smem:$0x3FAE] =	sst s0  }
0x9: {  	[smem:$0x3FAF] =	sst s1  }
0xa: {  	[smem:$0x3FB0] =	sst s2  }
0xb: {  	[smem:$0x3FB1] =	sst s3  }
0xc: {  	[smem:$0x3FB2] =	sst s4  }
0xd: {  	[smem:$0x3FB3] =	sst s5  }
0xe: {  	[smem:$0x3FB4] =	sst s6  }
0xf: {  	[smem:$0x3FB5] =	sst s7  }
0x10: {  	[smem:$0x3FB6] =	sst s8  }
0x11: {  	[smem:$0x3FB7] =	sst s9;
	s0 =	simm.s32 @!p0 $0x0  }
0x12: {  	s1 =	sld [smem:$0x3F9D];
	s0 =	simm.s32 @p0 $0x1  }
0x13: {  	[smem:$0x3FB8] =	sst s0;
	s0 =	simm.s32 @!p1 $0x0  }
0x14: {  	s2 =	sld [smem:$0x3F9C];
	s0 =	simm.s32 @p1 $0x1  }
0x15: {  	[smem:$0x3FB9] =	sst s0;
	s0 =	simm.s32 @!p2 $0x0  }
0x16: {  	s3 =	sld [smem:$0x3FDB];
	s0 =	simm.s32 @p2 $0x1  }
0x17: {  	s4 =	simm.s32 $0x1BF5;
	[smem:$0x3FBB] =	sst s0  }
0x18: {  	s0 =	sld [smem:$0x3F9E];
	_ =	swait.ge [sflag:s4], $0x0  }
0x19: {  	s7 =	sld [smem:$0x3F9F]  }
0x1a: {  	s8 =	sadd.s32 $0xFFFFE003, lr  }
0x1b: {  	s9 =	sadd.s32 $0xFFFFFEF7, lr;
	s5 =	simm.s32 $0xFFFFFFFF;
	p2 =	slt.u32 s8, $0xFFFFF086  }
0x1c: {  	p1 =	slt.u32 s9, $0xF7A;
	s5 =	simm.s32 @!p2 $0x0  }
0x1d: {  	s5 =	simm.s32 @p1 $0x1;
	p0 =	seq.s32 s7, s2  }
0x1e: {  	s7 =	smul.u32 @!p0 $0xF7A, s2;
	p2 =	seq.s32 @!p0 s5, $0x0  }
0x1f: {  	s9 =	smul.u32 $0xF7A, s1;
	s8 =	simm.s32 @!p0 $0x1BF5;
	p2 =	por !p2, p0  }
0x20: {  	[sflag:s8] =	ssyncset.s32 @!p0 $0xFFFFF086;
	s6 =	sadd.s32 @!p0 s3, s7;
	s7 =	simm.s32 @!p0 $0x108  }
0x21: {  	s3 =	sadd.s32 s3, s9;
	s6 =	sadd.s32 @!p0 $0x88, s6;
	s7 =	simm.s32 @p2 $0x1082  }
0x22: {  	[simem:s7], [sflag:s8] =	dma.local @!p0 [hbm:s6], $0xF7A  }
0x23: {  	s9 =	sor.u32 $0xD0000000, s2;
	s6 =	simm.s32 $0x108;
	_ =	swait.ge @!p0 [sflag:s8], $0x0  }
0x24: {  	s3 =	sadd.s32 $0x88, s3;
	s6 =	simm.s32 @!p1 $0x1082;
	[sflag:s4] =	ssyncset.s32 $0xFFFFF086  }
0x25: {  	[simem:s6], [sflag:s4] =	dma.local [hbm:s3], $0xF7A  }
0x26: {  	[smem:$0x3F9F] =	sst s1;
	(tag) =	ssettag s2;
	_ =	strace s9  }
0x27: {  	s1 =	sld [smem:$0x3FAF]  }
0x28: {  	s2 =	sld [smem:$0x3FB0]  }
0x29: {  	s4 =	sld [smem:$0x3FB2]  }
0x2a: {  	p0 =	seq.s32 s5, $0x0;
	s5 =	sld [smem:$0x3FB3]  }
0x2b: {  	s6 =	sld [smem:$0x3FB4]  }
0x2c: {  	s7 =	sld [smem:$0x3FB5]  }
0x2d: {  	s3 =	simm.s32 $0x108;
	s8 =	sld [smem:$0x3FB6]  }
0x2e: {  	s3 =	simm.s32 @!p0 $0x1082;
	s9 =	sld [smem:$0x3FB7]  }
0x2f: {  	lr =	sadd.s32 s0, s3;
	s0 =	sld [smem:$0x3FAE]  }
0x30: {  	s3 =	sld [smem:$0x3FB1]  }
0x31: {  	[smem:$0x3FBA] =	sst s10  }
0x32: {  	s10 =	sld [smem:$0x3FB8];
	_ =	sdelay $0x3  }
0x33: {  	p0 =	seq.s32 s10, $0x1;
	s10 =	sld [smem:$0x3FBA];
	_ =	sdelay $0x3  }
0x34: {  	[smem:$0x3FBA] =	sst s10  }
0x35: {  	s10 =	sld [smem:$0x3FB9];
	_ =	sdelay $0x3  }
0x36: {  	p1 =	seq.s32 s10, $0x1;
	s10 =	sld [smem:$0x3FBA];
	_ =	sdelay $0x3  }
0x37: {  	[smem:$0x3FBA] =	sst s10  }
0x38: {  	s10 =	sld [smem:$0x3FBB]  }
0x39: {  	_ = 	snop;
	(pc) =	sbr.ind lr, $3  }
0x3a: {  	_ = 	snop  }
0x3b: {  	_ = 	snop  }
0x3c: {  	p2 =	seq.s32 s10, $0x1;
	s10 =	sld [smem:$0x3FBA]  }
0x3d: {  	_ =	shalt  }
0x3e: {  	_ =	shalt  }
0x3f: {  	_ =	shalt  }
0x40: {  	_ =	shalt  }
0x41: {  	_ =	shalt  }
0x42: {  	_ =	shalt  }
0x43: {  	_ =	shalt  }
0x44: {  	_ =	shalt  }
0x45: {  	_ =	shalt  }
0x46: {  	_ =	shalt  }
0x47: {  	_ =	shalt  }
0x48: {  	_ =	shalt  }
0x49: {  	_ =	shalt  }
0x4a: {  	_ =	shalt  }
0x4b: {  	_ =	shalt  }
0x4c: {  	_ =	shalt  }
0x4d: {  	_ =	shalt  }
0x4e: {  	_ =	shalt  }
0x4f: {  	_ =	shalt  }
0x50: {  	_ =	shalt  }
0x51: {  	_ =	shalt  }
0x52: {  	_ =	shalt  }
0x53: {  	_ =	shalt  }
0x54: {  	_ =	shalt  }
0x55: {  	_ =	shalt  }
0x56: {  	_ =	shalt  }
0x57: {  	_ =	shalt  }
0x58: {  	_ =	shalt  }
0x59: {  	_ =	shalt  }
0x5a: {  	_ =	shalt  }
0x5b: {  	_ =	shalt  }
0x5c: {  	_ =	shalt  }
0x5d: {  	_ =	shalt  }
0x5e: {  	_ =	shalt  }
0x5f: {  	_ =	shalt  }
0x60: {  	_ =	shalt  }
0x61: {  	_ =	shalt  }
0x62: {  	_ =	shalt  }
0x63: {  	_ =	shalt  }
0x64: {  	_ =	shalt  }
0x65: {  	_ =	shalt  }
0x66: {  	_ =	shalt  }
0x67: {  	_ =	shalt  }
0x68: {  	_ =	shalt  }
0x69: {  	_ =	shalt  }
0x6a: {  	_ =	shalt  }
0x6b: {  	_ =	shalt  }
0x6c: {  	_ =	shalt  }
0x6d: {  	_ =	shalt  }
0x6e: {  	_ =	shalt  }
0x6f: {  	_ =	shalt  }
0x70: {  	_ =	shalt  }
0x71: {  	_ =	shalt  }
0x72: {  	_ =	shalt  }
0x73: {  	_ =	shalt  }
0x74: {  	_ =	shalt  }
0x75: {  	_ =	shalt  }
0x76: {  	_ =	shalt  }
0x77: {  	_ =	shalt  }
0x78: {  	_ =	shalt  }
0x79: {  	_ =	shalt  }
0x7a: {  	_ =	shalt  }
0x7b: {  	_ =	shalt  }
0x7c: {  	_ =	shalt  }
0x7d: {  	_ =	shalt  }
0x7e: {  	_ =	shalt  }
0x7f: {  	_ =	shalt  }
0x80: {  	_ =	shalt  }
0x81: {  	_ =	shalt  }
0x82: {  	_ =	shalt  }
0x83: {  	_ =	shalt  }
0x84: {  	_ =	shalt  }
0x85: {  	_ =	shalt  }
0x86: {  	_ =	shalt  }
0x87: {  	_ =	shalt  }
.Lfunc_end0:
.L_simem_size_0:
called_computation_lowered:
.L_overlay_start_0:
0x88: {  	s2 =	sld [smem:$0x3FD9]  }
0x89: {  	s3 =	sld [smem:$0x3FFE];
	_ =	sdelay $0x1  }
0x8a: {  	s1 =	srdreg.scid  }
0x8b: {  	s0 =	sand.u32 $0x1, s1  }
0x8c: {  	s18 =	sshll.u32 s0, $0xA;
	s2 =	sadd.s32 s3, s2  }
0x8d: {  	s2 =	sadd.s32 s2, s18  }
0x8e: {  	[smem:$0x3FC6] =	sst s2  }
0x8f: {  	_ = 	snop  }
0x90: {  	s2 =	sld [smem:$0x3FC9]  }
0x91: {  	s19 =	sld [smem:$0x3FC8]  }
0x92: {  	s4 =	sld [smem:$0x3FD0];
	(tm) =	ssettm $0x1  }
0x93: {  	s5 =	sld [smem:$0x3FFB];
	_ =	sdelay $0x3  }
0x94: {  	_ =	strace s5  }
0x95: {  	s5 =	sld [smem:$0x3FFC];
	_ =	sdelay $0x3  }
0x96: {  	_ =	strace s5  }
0x97: {  	s5 =	sld [smem:$0x3FFD];
	_ =	sdelay $0x3  }
0x98: {  	_ =	strace s5  }
0x99: {  	_ =	strace $0x8FFFFFFF  }
0x9a: {  	s20 =	sld [smem:$0x3FDB];
	_ =	sdelay $0x1  }
0x9b: {  	s6 =	simm.s32 $_scs_section_size  }
0x9c: {  	s7 =	simm.s32 $_size__tile_overlayer_lowered;
	s8 =	simm.s32 $_tile_overlayer_lowered  }
0x9d: {  	s23 =	simm.s32 $0x1BFF;
	s22 =	sshll.u32 s8, $0x1;
	s5 =	sadd.s32 s6, s20  }
0x9e: {  	s9 =	simm.s32 $0x0;
	s21 =	sshll.u32 s7, $0x1;
	s7 =	sadd.s32 s22, s5  }
0x9f: {  	[timem:s9], [sflag:s23] =	dma.local [hbm:s7], s21  }
0xa0: {  	_ =	swait.ge [sflag:s23], s21  }
0xa1: {  	s6 =	ssub.s32 $0x0, s21;
	[sflag:s23] =	ssyncset.done $0x0  }
0xa2: {  	[sflag:s23] =	ssyncadd.s32 s6;
	_ =	sdelay $0x1  }
0xa3: {  	s24 =	simm.s32 $0x1B8B  }
0xa4: {  	_ =	swait.ge [sflag:s24], $0x1  }
0xa5: {  	[sflag:s24] =	ssyncset.done $0x0  }
0xa6: {  	s25 =	simm.s32 $0x1B8E;
	[sflag:s24] =	ssyncadd.s32 $0xFFFFFFFF  }
0xa7: {  	s26 =	simm.s32 $execute0_lowered;
	[smem:$0x3FD2] =	sst s25  }
0xa8: {  	s6 =	sshll.u32 s26, $0x1;
	_ =	strace $0x80000046;
	[dreg:$0x1] =	wrdreg $0xFFFFFFFF  }
0xa9: {  	s28 =	simm.s32 $_size_execute0_lowered;
	s5 =	sadd.s32 s5, s6;
	[dreg:$0x0] =	wrdreg $0x0  }
0xaa: {  	s6 =	sshll.u32 s28, $0x1;
	[dreg:$0x2] =	wrdreg s5  }
0xab: {  	[dreg:$0x3] =	wrdreg s6  }
0xac: {  	[dreg:$0x4] =	wrdreg $0xC0  }
0xad: {  	_ =	task [dreg:s9], $0x5FFFF  }
0xae: {  	[dreg:$0x1] =	wrdreg $0xFFFFFFFF  }
0xaf: {  	[dreg:$0x0] =	wrdreg $0x60  }
0xb0: {  	[dreg:$0x2] =	wrdreg s2  }
0xb1: {  	[dreg:$0x3] =	wrdreg s19  }
0xb2: {  	[dreg:$0x4] =	wrdreg s4  }
0xb3: {  	[dreg:$0x5] =	wrdreg $0x9  }
0xb4: {  	_ =	task.clear_ibuf [dreg:s9], $0x6FFFF;
	_ =	strace $0x90000046  }
0xb5: {  	s29 =	simm.s32 $0x9;
	_ =	strace $0x80000048  }
0xb6: {  	_ =	swait.ge [sflag:s29], $0x1  }
0xb7: {  	[sflag:s29] =	ssyncadd.s32 $0xFFFFFFFF  }
0xb8: {  	_ =	strace $0x90000048  }
0xb9: {  	_ =	sfence  }
0xba: {  	s30 =	sld [smem:$0x0];
	_ =	sdelay $0x2  }
0xbb: {  	s31 =	sshll.u32 s1, $0xD;
	s1 =	sshrl.u32 s1, $0x2  }
0xbc: {  	s3 =	sand.u32 $0x4000, s31;
	s1 =	sadd.s32 s1, s30  }
0xbd: {  	s0 =	sor.u32 s3, s0;
	s1 =	sshll.u32 s1, $0x11  }
0xbe: {  	s0 =	sor.u32 s1, s0  }
0xbf: {  	s0 =	sadd.s32 $0x8F2B, s0  }
0xc0: {  	[sflag:s0] =	ssyncadd.remote.s32 $0x1  }
0xc1: {  	_ =	sfence.sel $0xFFFF  }
0xc2: {  	[dreg:$0x0] =	wrdreg $0xFFFFFFFF;
	(pc) =	sbr.abs _section_cstart, $3  }
0xc3: {  	[dreg:$0x1] =	wrdreg $0xFFFFFFFF  }
0xc4: {  	_ =	task.clear_ibuf [dreg:s9], $0x2FFFF;
	_ =	strace $0x9FFFFFFF  }
0xc5: {  	(tm) =	ssettm $0x7FFFFFFF  }
tec
execute0_lowered:
.L_overlay_start_1:
0x0: {  	(tag) =	ssettag $0x1  }
0x1: {  	s0 =	rddreg [dreg:$0x0]  }
0x2: {  	s1 =	rddreg [dreg:$0x1]  }
0x3: {  	s2 =	rddreg [dreg:$0x2];
	s3 =	simm.s32 $0x0;
	s4 =	srdreg.scid  }
0x4: {  	s10 =	stileid.u32;
	s31 =	simm.s32 $0x8400;
	s15 =	simm.s32 $0x12400  }
0x5: {  	s11 =	simm.s32 $0x15400;
	s12 =	simm.s32 $0x16400;
	s28 =	simm.s32 $0x16C00  }
0x6: {  	s17 =	simm.s32 $0x17400;
	s13 =	simm.s32 $0x2;
	s29 =	simm.s32 $0x4  }
0x7: {  	s30 =	simm.s32 $0x5;
	s16 =	simm.s32 $0x6;
	s14 =	simm.s32 $0x0  }
0x8: {  	[smem:$0x7FF] =	sst s3;
	s4 =	sand.u32 $0x1, s4;
	s5 =	sshll.u32 s10, $0x1  }
0x9: {  	s6 =	sshll.u32 s10, $0x2;
	s21 =	sshll.u32 s10, $0x12;
	s10 =	simm.s32 $0x14C00  }
0xa: {  	_ =	strace $0x80000047;
	s5 =	sor.u32 s4, s5;
	s7 =	ssub.s32 $0x2, s4  }
0xb: {  	s6 =	sand.u32 $0x30, s6;
	s23 =	sshll.u32 s4, $0x11;
	s4 =	simm.s32 $0x13400  }
0xc: {  	s8 =	sshll.u32 s5, $0x9;
	s9 =	sshrl.u32 s7, $0x1;
	s19 =	sshll.u32 s5, $0x11  }
0xd: {  	s0 =	sadd.s32 s0, s6;
	s8 =	sand.u32 $0xE00, s8;
	s20 =	sadd.s32 s2, s19  }
0xe: {  	s5 =	sadd.s32 $0x100, s1;
	s0 =	sadd.s32 s8, s0;
	[dreg:$0x6] =	wrdreg s20  }
0xf: {  	s6 =	sadd.s32 $0x200, s1;
	s22 =	sadd.s32 $0x1D000, s20;
	[dreg:$0x5] =	wrdreg s0  }
0x10: {  	s7 =	ssub.s32 s7, s9;
	s24 =	sadd.s32 $0x1E000, s20;
	[dreg:$0x8] =	wrdreg s22  }
0x11: {  	s9 =	simm.s32 $0x14400;
	s25 =	sadd.s32 $0x1F000, s20;
	[dreg:$0x9] =	wrdreg s24  }
0x12: {  	s8 =	sadd.s32 $0x300, s1;
	s26 =	smax.u32 s7, $0x1;
	[dreg:$0xa] =	wrdreg s25  }
0x13: {  	s7 =	simm.s32 $0x3;
	s0 =	sadd.s32 $0x1C000, s20;
	[dreg:$0xb] =	wrdreg s26  }
0x14: {  	s24 =	simm.s32 $0x1;
	s25 =	simm.s32 $0x10400;
	s20 =	simm.s32 $0x11400  }
0x15: {  	v2 =	vlaneseq.u32;
	s22 =	simm.s32 $0x12C00;
	[dreg:$0x7] =	wrdreg s0;
	s0 =	sadd.s32 s21, s2  }
0x16: {  	vm0 =	vmmov $0xffff;
	v1 =	vshrl.u32 v2, $0x3;
	s26 =	simm.s32 $0x15C00;
	s2 =	simm.s32 $0x10C00;
	s0 =	sadd.s32 s23, s0  }
0x17: {  	v0 =	vand.u32 $0x7, v2;
	v2 =	vor.u32 $0x8, v2;
	v1 =	vmul.u32 $0x8, v1;
	s21 =	simm.s32 $0x11C00;
	s23 =	simm.s32 $0x13C00;
	[dreg:$0x4] =	wrdreg s0  }
.LBB2_1:
0x18: {  	s0 =	rddreg [dreg:$0x5];
	s18 =	simm.s32 $0x80;
	s19 =	simm.s32 $0x200  }
0x19: {  	[tilespmem:s3], [sflag:$0x7] =	stream.strided.gather [hbm4b:s0+s18], $0x400, s19, s18, $0x38;
	[tilespmem:$0x18400] =	vst v63  }
0x1a: {  	[dreg:$0xc] =	wrdreg s14;
	s18 =	simm.s32 $0x7  }
0x1b: {  	_ =	swait.ge [sflag:s18], $0x400  }
0x1c: {  	[sflag:s18] =	ssyncset.done $0x0  }
0x1d: {  	[sflag:s18] =	ssyncadd.s32 $0xFFFFFC00  }
0x1e: {  	v3 =	vld [tilespmem:$0x0];
	_ =	sdelay $0x4  }
0x1f: {  	v4 =	vshll.u32 v3, $0x3  }
0x20: {  	v3 =	vand.u32 $0x7, v3;
	v4 =	vand.u32 $0xFFFFFFC0, v4  }
0x21: {  	v3 =	vor.u32 v3, v4  }
0x22: {  	v4 =	vperm.xlane v3, v0;
	_ =	sdelay $0x1  }
0x23: {  	v4 =	vadd.s32 v1, v4;
	_ =	sdelay $0x3  }
0x24: {  	s14 =	simm.s32 $0x400  }
0x25: {  	[tilespmem:s14], [sflag:$0x1] =	stream.indirect_vreg.gather [hbm4b:s1+s3], $0x80, v4, vm0, $0xb8;
	[tilespmem:$0x18400] =	vst v63  }
0x26: {  	s19 =	simm.s32 $0xC00;
	v3 =	vperm.xlane v3, v2  }
0x27: {  	[tilespmem:s19], [sflag:$0x1] =	stream.indirect_vreg.gather [hbm4b:s5+s3], $0x80, v4, vm0, $0xb8;
	[tilespmem:$0x18400] =	vst v63  }
0x28: {  	s18 =	simm.s32 $0x1400;
	v3 =	vadd.s32 v1, v3  }
0x29: {  	[tilespmem:s18], [sflag:$0x1] =	stream.indirect_vreg.gather [hbm4b:s6+s3], $0x80, v4, vm0, $0xb8;
	[tilespmem:$0x18400] =	vst v63  }
0x2a: {  	s19 =	simm.s32 $0x1C00  }
0x2b: {  	[tilespmem:s19], [sflag:$0x1] =	stream.indirect_vreg.gather [hbm4b:s8+s3], $0x80, v4, vm0, $0xb8;
	[tilespmem:$0x18400] =	vst v63  }
0x2c: {  	s18 =	simm.s32 $0x2400  }
0x2d: {  	[tilespmem:s18], [sflag:$0x1] =	stream.indirect_vreg.gather [hbm4b:s1+s3], $0x80, v3, vm0, $0xb8;
	[tilespmem:$0x18400] =	vst v63  }
0x2e: {  	s19 =	simm.s32 $0x2C00  }
0x2f: {  	[tilespmem:s19], [sflag:$0x1] =	stream.indirect_vreg.gather [hbm4b:s5+s3], $0x80, v3, vm0, $0xb8;
	[tilespmem:$0x18400] =	vst v63  }
0x30: {  	s18 =	simm.s32 $0x3400  }
0x31: {  	[tilespmem:s18], [sflag:$0x1] =	stream.indirect_vreg.gather [hbm4b:s6+s3], $0x80, v3, vm0, $0xb8;
	[tilespmem:$0x18400] =	vst v63  }
0x32: {  	s19 =	simm.s32 $0x3C00  }
0x33: {  	[tilespmem:s19], [sflag:$0x1] =	stream.indirect_vreg.gather [hbm4b:s8+s3], $0x80, v3, vm0, $0xb8;
	[tilespmem:$0x18400] =	vst v63  }
0x34: {  	v3 =	vld [tilespmem:$0x10];
	_ =	sdelay $0x4  }
0x35: {  	v59 =	vshll.u32 v3, $0x3  }
0x36: {  	v3 =	vand.u32 $0x7, v3;
	v4 =	vand.u32 $0xFFFFFFC0, v59  }
0x37: {  	v3 =	vor.u32 v3, v4  }
0x38: {  	v4 =	vperm.xlane v3, v0;
	_ =	sdelay $0x1  }
0x39: {  	v4 =	vadd.s32 v1, v4;
	_ =	sdelay $0x3  }
0x3a: {  	s18 =	simm.s32 $0x4400  }
0x3b: {  	[tilespmem:s18], [sflag:$0x1] =	stream.indirect_vreg.gather [hbm4b:s1+s3], $0x80, v4, vm0, $0xb8;
	[tilespmem:$0x18400] =	vst v63  }
0x3c: {  	s19 =	simm.s32 $0x4C00;
	v3 =	vperm.xlane v3, v2  }
0x3d: {  	[tilespmem:s19], [sflag:$0x1] =	stream.indirect_vreg.gather [hbm4b:s5+s3], $0x80, v4, vm0, $0xb8;
	[tilespmem:$0x18400] =	vst v63  }
0x3e: {  	v3 =	vadd.s32 v1, v3;
	s18 =	simm.s32 $0x5400  }
0x3f: {  	[tilespmem:s18], [sflag:$0x1] =	stream.indirect_vreg.gather [hbm4b:s6+s3], $0x80, v4, vm0, $0xb8;
	[tilespmem:$0x18400] =	vst v63  }
0x40: {  	s19 =	simm.s32 $0x5C00  }
0x41: {  	[tilespmem:s19], [sflag:$0x1] =	stream.indirect_vreg.gather [hbm4b:s8+s3], $0x80, v4, vm0, $0xb8;
	[tilespmem:$0x18400] =	vst v63  }
0x42: {  	s18 =	simm.s32 $0x6400  }
0x43: {  	[tilespmem:s18], [sflag:$0x1] =	stream.indirect_vreg.gather [hbm4b:s1+s3], $0x80, v3, vm0, $0xb8;
	[tilespmem:$0x18400] =	vst v63  }
0x44: {  	s19 =	simm.s32 $0x6C00  }
0x45: {  	[tilespmem:s19], [sflag:$0x1] =	stream.indirect_vreg.gather [hbm4b:s5+s3], $0x80, v3, vm0, $0xb8;
	[tilespmem:$0x18400] =	vst v63  }
0x46: {  	s18 =	simm.s32 $0x7400  }
0x47: {  	[tilespmem:s18], [sflag:$0x1] =	stream.indirect_vreg.gather [hbm4b:s6+s3], $0x80, v3, vm0, $0xb8;
	[tilespmem:$0x18400] =	vst v63  }
0x48: {  	s19 =	simm.s32 $0x7C00  }
0x49: {  	[tilespmem:s19], [sflag:$0x1] =	stream.indirect_vreg.gather [hbm4b:s8+s3], $0x80, v3, vm0, $0xb8;
	[tilespmem:$0x18400] =	vst v63  }
0x4a: {  	v3 =	vld [tilespmem:$0x20];
	_ =	sdelay $0x4  }
0x4b: {  	v60 =	vshll.u32 v3, $0x3  }
0x4c: {  	v3 =	vand.u32 $0x7, v3;
	v4 =	vand.u32 $0xFFFFFFC0, v60  }
0x4d: {  	v3 =	vor.u32 v3, v4  }
0x4e: {  	v4 =	vperm.xlane v3, v0;
	_ =	sdelay $0x1  }
0x4f: {  	v4 =	vadd.s32 v1, v4;
	_ =	sdelay $0x4  }
0x50: {  	[tilespmem:s31], [sflag:$0x2] =	stream.indirect_vreg.gather [hbm4b:s1+s3], $0x80, v4, vm0, $0xb8;
	[tilespmem:$0x18400] =	vst v63  }
0x51: {  	s18 =	simm.s32 $0x8C00;
	v3 =	vperm.xlane v3, v2  }
0x52: {  	[tilespmem:s18], [sflag:$0x2] =	stream.indirect_vreg.gather [hbm4b:s5+s3], $0x80, v4, vm0, $0xb8;
	[tilespmem:$0x18400] =	vst v63  }
0x53: {  	s19 =	simm.s32 $0x9400;
	v3 =	vadd.s32 v1, v3  }
0x54: {  	[tilespmem:s19], [sflag:$0x2] =	stream.indirect_vreg.gather [hbm4b:s6+s3], $0x80, v4, vm0, $0xb8;
	[tilespmem:$0x18400] =	vst v63  }
0x55: {  	s18 =	simm.s32 $0x9C00  }
0x56: {  	[tilespmem:s18], [sflag:$0x2] =	stream.indirect_vreg.gather [hbm4b:s8+s3], $0x80, v4, vm0, $0xb8;
	[tilespmem:$0x18400] =	vst v63  }
0x57: {  	s19 =	simm.s32 $0xA400  }
0x58: {  	[tilespmem:s19], [sflag:$0x2] =	stream.indirect_vreg.gather [hbm4b:s1+s3], $0x80, v3, vm0, $0xb8;
	[tilespmem:$0x18400] =	vst v63  }
0x59: {  	s18 =	simm.s32 $0xAC00  }
0x5a: {  	[tilespmem:s18], [sflag:$0x2] =	stream.indirect_vreg.gather [hbm4b:s5+s3], $0x80, v3, vm0, $0xb8;
	[tilespmem:$0x18400] =	vst v63  }
0x5b: {  	s19 =	simm.s32 $0xB400  }
0x5c: {  	[tilespmem:s19], [sflag:$0x2] =	stream.indirect_vreg.gather [hbm4b:s6+s3], $0x80, v3, vm0, $0xb8;
	[tilespmem:$0x18400] =	vst v63  }
0x5d: {  	s18 =	simm.s32 $0xBC00  }
0x5e: {  	[tilespmem:s18], [sflag:$0x2] =	stream.indirect_vreg.gather [hbm4b:s8+s3], $0x80, v3, vm0, $0xb8;
	[tilespmem:$0x18400] =	vst v63  }
0x5f: {  	v3 =	vld [tilespmem:$0x30];
	_ =	sdelay $0x4  }
0x60: {  	v61 =	vshll.u32 v3, $0x3  }
0x61: {  	v3 =	vand.u32 $0x7, v3;
	v4 =	vand.u32 $0xFFFFFFC0, v61  }
0x62: {  	v3 =	vor.u32 v3, v4  }
0x63: {  	v4 =	vperm.xlane v3, v0;
	_ =	sdelay $0x1  }
0x64: {  	v4 =	vadd.s32 v1, v4;
	_ =	sdelay $0x3  }
0x65: {  	s19 =	simm.s32 $0xC400  }
0x66: {  	[tilespmem:s19], [sflag:$0x2] =	stream.indirect_vreg.gather [hbm4b:s1+s3], $0x80, v4, vm0, $0xb8;
	[tilespmem:$0x18400] =	vst v63  }
0x67: {  	s18 =	simm.s32 $0xCC00;
	v3 =	vperm.xlane v3, v2  }
0x68: {  	[tilespmem:s18], [sflag:$0x2] =	stream.indirect_vreg.gather [hbm4b:s5+s3], $0x80, v4, vm0, $0xb8;
	[tilespmem:$0x18400] =	vst v63  }
0x69: {  	v3 =	vadd.s32 v1, v3;
	s19 =	simm.s32 $0xD400  }
0x6a: {  	[tilespmem:s19], [sflag:$0x2] =	stream.indirect_vreg.gather [hbm4b:s6+s3], $0x80, v4, vm0, $0xb8;
	[tilespmem:$0x18400] =	vst v63  }
0x6b: {  	s18 =	simm.s32 $0xDC00  }
0x6c: {  	[tilespmem:s18], [sflag:$0x2] =	stream.indirect_vreg.gather [hbm4b:s8+s3], $0x80, v4, vm0, $0xb8;
	[tilespmem:$0x18400] =	vst v63  }
0x6d: {  	s19 =	simm.s32 $0xE400  }
0x6e: {  	[tilespmem:s19], [sflag:$0x2] =	stream.indirect_vreg.gather [hbm4b:s1+s3], $0x80, v3, vm0, $0xb8;
	[tilespmem:$0x18400] =	vst v63  }
0x6f: {  	s18 =	simm.s32 $0xEC00  }
0x70: {  	[tilespmem:s18], [sflag:$0x2] =	stream.indirect_vreg.gather [hbm4b:s5+s3], $0x80, v3, vm0, $0xb8;
	[tilespmem:$0x18400] =	vst v63  }
0x71: {  	s19 =	simm.s32 $0xF400  }
0x72: {  	[tilespmem:s19], [sflag:$0x2] =	stream.indirect_vreg.gather [hbm4b:s6+s3], $0x80, v3, vm0, $0xb8;
	[tilespmem:$0x18400] =	vst v63  }
0x73: {  	s18 =	simm.s32 $0xFC00  }
0x74: {  	[tilespmem:s18], [sflag:$0x2] =	stream.indirect_vreg.gather [hbm4b:s8+s3], $0x80, v3, vm0, $0xb8;
	[tilespmem:$0x18400] =	vst v63  }
0x75: {  	_ =	swait.ge [sflag:s24], $0x8000  }
0x76: {  	[sflag:s24] =	ssyncset.done $0x0  }
0x77: {  	s19 =	rddreg [dreg:$0x6];
	[sflag:s24] =	ssyncadd.s32 $0xFFFF8000  }
0x78: {  	[hbm4b:s19+s3] =	stream.linear.scatter [tilespmem:s14], [sflag:$0x4], $0x8000, $0x38;
	[tilespmem:$0x18400] =	vst v63  }
0x79: {  	v3 =	vld [tilespmem:$0x40];
	_ =	sdelay $0x4  }
0x7a: {  	v62 =	vshll.u32 v3, $0x3  }
0x7b: {  	v3 =	vand.u32 $0x7, v3;
	v4 =	vand.u32 $0xFFFFFFC0, v62  }
0x7c: {  	v3 =	vor.u32 v3, v4  }
0x7d: {  	v4 =	vperm.xlane v3, v0;
	_ =	sdelay $0x1  }
0x7e: {  	v4 =	vadd.s32 v1, v4;
	_ =	sdelay $0x4  }
0x7f: {  	[tilespmem:s25], [sflag:$0x3] =	stream.indirect_vreg.gather [hbm4b:s1+s3], $0x80, v4, vm0, $0xb8;
	[tilespmem:$0x18400] =	vst v63  }
0x80: {  	v3 =	vperm.xlane v3, v2  }
0x81: {  	[tilespmem:s2], [sflag:$0x3] =	stream.indirect_vreg.gather [hbm4b:s5+s3], $0x80, v4, vm0, $0xb8;
	[tilespmem:$0x18400] =	vst v63  }
0x82: {  	v3 =	vadd.s32 v1, v3  }
0x83: {  	[tilespmem:s20], [sflag:$0x3] =	stream.indirect_vreg.gather [hbm4b:s6+s3], $0x80, v4, vm0, $0xb8;
	[tilespmem:$0x18400] =	vst v63  }
0x84: {  	_ = 	snop  }
0x85: {  	[tilespmem:s21], [sflag:$0x3] =	stream.indirect_vreg.gather [hbm4b:s8+s3], $0x80, v4, vm0, $0xb8;
	[tilespmem:$0x18400] =	vst v63  }
0x86: {  	_ = 	snop  }
0x87: {  	[tilespmem:s15], [sflag:$0x3] =	stream.indirect_vreg.gather [hbm4b:s1+s3], $0x80, v3, vm0, $0xb8;
	[tilespmem:$0x18400] =	vst v63  }
0x88: {  	_ = 	snop  }
0x89: {  	[tilespmem:s22], [sflag:$0x3] =	stream.indirect_vreg.gather [hbm4b:s5+s3], $0x80, v3, vm0, $0xb8;
	[tilespmem:$0x18400] =	vst v63  }
0x8a: {  	_ = 	snop  }
0x8b: {  	[tilespmem:s4], [sflag:$0x3] =	stream.indirect_vreg.gather [hbm4b:s6+s3], $0x80, v3, vm0, $0xb8;
	[tilespmem:$0x18400] =	vst v63  }
0x8c: {  	_ = 	snop  }
0x8d: {  	[tilespmem:s23], [sflag:$0x3] =	stream.indirect_vreg.gather [hbm4b:s8+s3], $0x80, v3, vm0, $0xb8;
	[tilespmem:$0x18400] =	vst v63  }
0x8e: {  	v3 =	vld [tilespmem:$0x50];
	_ =	sdelay $0x4  }
0x8f: {  	v63 =	vshll.u32 v3, $0x3  }
0x90: {  	v3 =	vand.u32 $0x7, v3;
	v4 =	vand.u32 $0xFFFFFFC0, v63  }
0x91: {  	v3 =	vor.u32 v3, v4  }
0x92: {  	v4 =	vperm.xlane v3, v0;
	_ =	sdelay $0x1  }
0x93: {  	v4 =	vadd.s32 v1, v4;
	_ =	sdelay $0x4  }
0x94: {  	[tilespmem:s9], [sflag:$0x3] =	stream.indirect_vreg.gather [hbm4b:s1+s3], $0x80, v4, vm0, $0xb8;
	[tilespmem:$0x18400] =	vst v63  }
0x95: {  	v3 =	vperm.xlane v3, v2  }
0x96: {  	[tilespmem:s10], [sflag:$0x3] =	stream.indirect_vreg.gather [hbm4b:s5+s3], $0x80, v4, vm0, $0xb8;
	[tilespmem:$0x18400] =	vst v63  }
0x97: {  	v3 =	vadd.s32 v1, v3  }
0x98: {  	[tilespmem:s11], [sflag:$0x3] =	stream.indirect_vreg.gather [hbm4b:s6+s3], $0x80, v4, vm0, $0xb8;
	[tilespmem:$0x18400] =	vst v63  }
0x99: {  	s31 =	simm.s32 $0xB0;
	s18 =	simm.s32 $0x0;
	s20 =	simm.s32 $0x17C00  }
0x9a: {  	[tilespmem:s26], [sflag:$0x3] =	stream.indirect_vreg.gather [hbm4b:s8+s3], $0x80, v4, vm0, $0xb8;
	[tilespmem:$0x18400] =	vst v63  }
0x9b: {  	s21 =	simm.s32 $0x11C00;
	s15 =	simm.s32 $0x12400;
	s22 =	simm.s32 $0x12C00  }
0x9c: {  	[tilespmem:s12], [sflag:$0x3] =	stream.indirect_vreg.gather [hbm4b:s1+s3], $0x80, v3, vm0, $0xb8;
	[tilespmem:$0x18400] =	vst v63  }
0x9d: {  	s4 =	simm.s32 $0x13400;
	s23 =	simm.s32 $0x13C00;
	s9 =	simm.s32 $0x14400  }
0x9e: {  	[tilespmem:s28], [sflag:$0x3] =	stream.indirect_vreg.gather [hbm4b:s5+s3], $0x80, v3, vm0, $0xb8;
	[tilespmem:$0x18400] =	vst v63  }
0x9f: {  	s10 =	simm.s32 $0x14C00;
	s11 =	simm.s32 $0x15400;
	s26 =	simm.s32 $0x15C00  }
0xa0: {  	[tilespmem:s17], [sflag:$0x3] =	stream.indirect_vreg.gather [hbm4b:s6+s3], $0x80, v3, vm0, $0xb8;
	[tilespmem:$0x18400] =	vst v63  }
0xa1: {  	s12 =	simm.s32 $0x16400;
	s28 =	simm.s32 $0x16C00;
	s17 =	simm.s32 $0x17400  }
0xa2: {  	[tilespmem:s20], [sflag:$0x3] =	stream.indirect_vreg.gather [hbm4b:s8+s3], $0x80, v3, vm0, $0xb8;
	[tilespmem:$0x18400] =	vst v63  }
.LBB2_2:
0xa3: {  	_ =	swait.ge [sflag:s13], $0x8000  }
0xa4: {  	[sflag:s13] =	ssyncset.done $0x0  }
0xa5: {  	[sflag:s13] =	ssyncadd.s32 $0xFFFF8000  }
0xa6: {  	_ =	swait.ge [sflag:s29], $0x8000  }
0xa7: {  	s0 =	rddreg [dreg:$0x4]  }
0xa8: {  	[sflag:s29] =	ssyncset.done $0x0;
	s0 =	sadd.s32 s18, s0  }
0xa9: {  	s25 =	simm.s32 $0x8400;
	[sflag:s29] =	ssyncadd.s32 $0xFFFF8000;
	s19 =	sadd.s32 $0x1000, s0  }
0xaa: {  	[hbm4b:s19+s3] =	stream.linear.scatter [tilespmem:s25], [sflag:$0x5], $0x8000, $0x38;
	[tilespmem:$0x18400] =	vst v63  }
0xab: {  	v3 =	vld [tilespmem:s31+$0xFFFFFFB0];
	_ =	sdelay $0x4  }
0xac: {  	v4 =	vshll.u32 v3, $0x3  }
0xad: {  	v3 =	vand.u32 $0x7, v3;
	v4 =	vand.u32 $0xFFFFFFC0, v4  }
0xae: {  	v3 =	vor.u32 v3, v4  }
0xaf: {  	v4 =	vperm.xlane v3, v0;
	_ =	sdelay $0x1  }
0xb0: {  	v4 =	vadd.s32 v1, v4;
	_ =	sdelay $0x3  }
0xb1: {  	s14 =	simm.s32 $0x400  }
0xb2: {  	[tilespmem:s14], [sflag:$0x1] =	stream.indirect_vreg.gather [hbm4b:s1+s3], $0x80, v4, vm0, $0xb8;
	[tilespmem:$0x18400] =	vst v63  }
0xb3: {  	s2 =	simm.s32 $0xC00;
	v3 =	vperm.xlane v3, v2  }
0xb4: {  	[tilespmem:s2], [sflag:$0x1] =	stream.indirect_vreg.gather [hbm4b:s5+s3], $0x80, v4, vm0, $0xb8;
	[tilespmem:$0x18400] =	vst v63  }
0xb5: {  	v3 =	vadd.s32 v1, v3;
	s2 =	simm.s32 $0x1400  }
0xb6: {  	[tilespmem:s2], [sflag:$0x1] =	stream.indirect_vreg.gather [hbm4b:s6+s3], $0x80, v4, vm0, $0xb8;
	[tilespmem:$0x18400] =	vst v63  }
0xb7: {  	s2 =	simm.s32 $0x1C00  }
0xb8: {  	[tilespmem:s2], [sflag:$0x1] =	stream.indirect_vreg.gather [hbm4b:s8+s3], $0x80, v4, vm0, $0xb8;
	[tilespmem:$0x18400] =	vst v63  }
0xb9: {  	s2 =	simm.s32 $0x2400  }
0xba: {  	[tilespmem:s2], [sflag:$0x1] =	stream.indirect_vreg.gather [hbm4b:s1+s3], $0x80, v3, vm0, $0xb8;
	[tilespmem:$0x18400] =	vst v63  }
0xbb: {  	s2 =	simm.s32 $0x2C00  }
0xbc: {  	[tilespmem:s2], [sflag:$0x1] =	stream.indirect_vreg.gather [hbm4b:s5+s3], $0x80, v3, vm0, $0xb8;
	[tilespmem:$0x18400] =	vst v63  }
0xbd: {  	s2 =	simm.s32 $0x3400  }
0xbe: {  	[tilespmem:s2], [sflag:$0x1] =	stream.indirect_vreg.gather [hbm4b:s6+s3], $0x80, v3, vm0, $0xb8;
	[tilespmem:$0x18400] =	vst v63  }
0xbf: {  	s2 =	simm.s32 $0x3C00  }
0xc0: {  	[tilespmem:s2], [sflag:$0x1] =	stream.indirect_vreg.gather [hbm4b:s8+s3], $0x80, v3, vm0, $0xb8;
	[tilespmem:$0x18400] =	vst v63  }
0xc1: {  	v3 =	vld [tilespmem:s31+$0xFFFFFFC0];
	_ =	sdelay $0x4  }
0xc2: {  	v59 =	vshll.u32 v3, $0x3  }
0xc3: {  	v3 =	vand.u32 $0x7, v3;
	v4 =	vand.u32 $0xFFFFFFC0, v59  }
0xc4: {  	v3 =	vor.u32 v3, v4  }
0xc5: {  	v4 =	vperm.xlane v3, v0;
	_ =	sdelay $0x1  }
0xc6: {  	v4 =	vadd.s32 v1, v4;
	_ =	sdelay $0x3  }
0xc7: {  	s2 =	simm.s32 $0x4400  }
0xc8: {  	[tilespmem:s2], [sflag:$0x1] =	stream.indirect_vreg.gather [hbm4b:s1+s3], $0x80, v4, vm0, $0xb8;
	[tilespmem:$0x18400] =	vst v63  }
0xc9: {  	v3 =	vperm.xlane v3, v2;
	s2 =	simm.s32 $0x4C00  }
0xca: {  	[tilespmem:s2], [sflag:$0x1] =	stream.indirect_vreg.gather [hbm4b:s5+s3], $0x80, v4, vm0, $0xb8;
	[tilespmem:$0x18400] =	vst v63  }
0xcb: {  	v3 =	vadd.s32 v1, v3;
	s2 =	simm.s32 $0x5400  }
0xcc: {  	[tilespmem:s2], [sflag:$0x1] =	stream.indirect_vreg.gather [hbm4b:s6+s3], $0x80, v4, vm0, $0xb8;
	[tilespmem:$0x18400] =	vst v63  }
0xcd: {  	s2 =	simm.s32 $0x5C00  }
0xce: {  	[tilespmem:s2], [sflag:$0x1] =	stream.indirect_vreg.gather [hbm4b:s8+s3], $0x80, v4, vm0, $0xb8;
	[tilespmem:$0x18400] =	vst v63  }
0xcf: {  	s2 =	simm.s32 $0x6400  }
0xd0: {  	[tilespmem:s2], [sflag:$0x1] =	stream.indirect_vreg.gather [hbm4b:s1+s3], $0x80, v3, vm0, $0xb8;
	[tilespmem:$0x18400] =	vst v63  }
0xd1: {  	s2 =	simm.s32 $0x6C00  }
0xd2: {  	[tilespmem:s2], [sflag:$0x1] =	stream.indirect_vreg.gather [hbm4b:s5+s3], $0x80, v3, vm0, $0xb8;
	[tilespmem:$0x18400] =	vst v63  }
0xd3: {  	s2 =	simm.s32 $0x7400  }
0xd4: {  	[tilespmem:s2], [sflag:$0x1] =	stream.indirect_vreg.gather [hbm4b:s6+s3], $0x80, v3, vm0, $0xb8;
	[tilespmem:$0x18400] =	vst v63  }
0xd5: {  	s2 =	simm.s32 $0x7C00  }
0xd6: {  	[tilespmem:s2], [sflag:$0x1] =	stream.indirect_vreg.gather [hbm4b:s8+s3], $0x80, v3, vm0, $0xb8;
	[tilespmem:$0x18400] =	vst v63  }
0xd7: {  	_ =	swait.ge [sflag:s7], $0x8000  }
0xd8: {  	[sflag:s7] =	ssyncset.done $0x0  }
0xd9: {  	[sflag:s7] =	ssyncadd.s32 $0xFFFF8000  }
0xda: {  	_ =	swait.ge [sflag:s30], $0x8000  }
0xdb: {  	[sflag:s30] =	ssyncset.done $0x0  }
0xdc: {  	s19 =	sadd.s32 $0x2000, s0;
	s2 =	simm.s32 $0x10400;
	[sflag:s30] =	ssyncadd.s32 $0xFFFF8000  }
0xdd: {  	[hbm4b:s19+s3] =	stream.linear.scatter [tilespmem:s2], [sflag:$0x6], $0x8000, $0x38;
	[tilespmem:$0x18400] =	vst v63  }
0xde: {  	v3 =	vld [tilespmem:s31+$0xFFFFFFD0];
	_ =	sdelay $0x4  }
0xdf: {  	v60 =	vshll.u32 v3, $0x3  }
0xe0: {  	v3 =	vand.u32 $0x7, v3;
	v4 =	vand.u32 $0xFFFFFFC0, v60  }
0xe1: {  	v3 =	vor.u32 v3, v4  }
0xe2: {  	v4 =	vperm.xlane v3, v0;
	_ =	sdelay $0x1  }
0xe3: {  	v4 =	vadd.s32 v1, v4;
	_ =	sdelay $0x4  }
0xe4: {  	[tilespmem:s25], [sflag:$0x2] =	stream.indirect_vreg.gather [hbm4b:s1+s3], $0x80, v4, vm0, $0xb8;
	[tilespmem:$0x18400] =	vst v63  }
0xe5: {  	v3 =	vperm.xlane v3, v2;
	s25 =	simm.s32 $0x8C00  }
0xe6: {  	[tilespmem:s25], [sflag:$0x2] =	stream.indirect_vreg.gather [hbm4b:s5+s3], $0x80, v4, vm0, $0xb8;
	[tilespmem:$0x18400] =	vst v63  }
0xe7: {  	v3 =	vadd.s32 v1, v3;
	s25 =	simm.s32 $0x9400  }
0xe8: {  	[tilespmem:s25], [sflag:$0x2] =	stream.indirect_vreg.gather [hbm4b:s6+s3], $0x80, v4, vm0, $0xb8;
	[tilespmem:$0x18400] =	vst v63  }
0xe9: {  	s25 =	simm.s32 $0x9C00  }
0xea: {  	[tilespmem:s25], [sflag:$0x2] =	stream.indirect_vreg.gather [hbm4b:s8+s3], $0x80, v4, vm0, $0xb8;
	[tilespmem:$0x18400] =	vst v63  }
0xeb: {  	s25 =	simm.s32 $0xA400  }
0xec: {  	[tilespmem:s25], [sflag:$0x2] =	stream.indirect_vreg.gather [hbm4b:s1+s3], $0x80, v3, vm0, $0xb8;
	[tilespmem:$0x18400] =	vst v63  }
0xed: {  	s25 =	simm.s32 $0xAC00  }
0xee: {  	[tilespmem:s25], [sflag:$0x2] =	stream.indirect_vreg.gather [hbm4b:s5+s3], $0x80, v3, vm0, $0xb8;
	[tilespmem:$0x18400] =	vst v63  }
0xef: {  	s25 =	simm.s32 $0xB400  }
0xf0: {  	[tilespmem:s25], [sflag:$0x2] =	stream.indirect_vreg.gather [hbm4b:s6+s3], $0x80, v3, vm0, $0xb8;
	[tilespmem:$0x18400] =	vst v63  }
0xf1: {  	s25 =	simm.s32 $0xBC00  }
0xf2: {  	[tilespmem:s25], [sflag:$0x2] =	stream.indirect_vreg.gather [hbm4b:s8+s3], $0x80, v3, vm0, $0xb8;
	[tilespmem:$0x18400] =	vst v63  }
0xf3: {  	v3 =	vld [tilespmem:s31+$0xFFFFFFE0];
	_ =	sdelay $0x4  }
0xf4: {  	v61 =	vshll.u32 v3, $0x3  }
0xf5: {  	v3 =	vand.u32 $0x7, v3;
	v4 =	vand.u32 $0xFFFFFFC0, v61  }
0xf6: {  	v3 =	vor.u32 v3, v4  }
0xf7: {  	v4 =	vperm.xlane v3, v0;
	_ =	sdelay $0x1  }
0xf8: {  	v4 =	vadd.s32 v1, v4;
	_ =	sdelay $0x3  }
0xf9: {  	s25 =	simm.s32 $0xC400  }
0xfa: {  	[tilespmem:s25], [sflag:$0x2] =	stream.indirect_vreg.gather [hbm4b:s1+s3], $0x80, v4, vm0, $0xb8;
	[tilespmem:$0x18400] =	vst v63  }
0xfb: {  	v3 =	vperm.xlane v3, v2;
	s25 =	simm.s32 $0xCC00  }
0xfc: {  	[tilespmem:s25], [sflag:$0x2] =	stream.indirect_vreg.gather [hbm4b:s5+s3], $0x80, v4, vm0, $0xb8;
	[tilespmem:$0x18400] =	vst v63  }
0xfd: {  	v3 =	vadd.s32 v1, v3;
	s25 =	simm.s32 $0xD400  }
0xfe: {  	[tilespmem:s25], [sflag:$0x2] =	stream.indirect_vreg.gather [hbm4b:s6+s3], $0x80, v4, vm0, $0xb8;
	[tilespmem:$0x18400] =	vst v63  }
0xff: {  	s25 =	simm.s32 $0xDC00  }
0x100: {  	[tilespmem:s25], [sflag:$0x2] =	stream.indirect_vreg.gather [hbm4b:s8+s3], $0x80, v4, vm0, $0xb8;
	[tilespmem:$0x18400] =	vst v63  }
0x101: {  	s25 =	simm.s32 $0xE400  }
0x102: {  	[tilespmem:s25], [sflag:$0x2] =	stream.indirect_vreg.gather [hbm4b:s1+s3], $0x80, v3, vm0, $0xb8;
	[tilespmem:$0x18400] =	vst v63  }
0x103: {  	s25 =	simm.s32 $0xEC00  }
0x104: {  	[tilespmem:s25], [sflag:$0x2] =	stream.indirect_vreg.gather [hbm4b:s5+s3], $0x80, v3, vm0, $0xb8;
	[tilespmem:$0x18400] =	vst v63  }
0x105: {  	s25 =	simm.s32 $0xF400  }
0x106: {  	[tilespmem:s25], [sflag:$0x2] =	stream.indirect_vreg.gather [hbm4b:s6+s3], $0x80, v3, vm0, $0xb8;
	[tilespmem:$0x18400] =	vst v63  }
0x107: {  	s25 =	simm.s32 $0xFC00  }
0x108: {  	[tilespmem:s25], [sflag:$0x2] =	stream.indirect_vreg.gather [hbm4b:s8+s3], $0x80, v3, vm0, $0xb8;
	[tilespmem:$0x18400] =	vst v63  }
0x109: {  	_ =	swait.ge [sflag:s24], $0x8000  }
0x10a: {  	[sflag:s24] =	ssyncset.done $0x0  }
0x10b: {  	[sflag:s24] =	ssyncadd.s32 $0xFFFF8000  }
0x10c: {  	_ =	swait.ge [sflag:s16], $0x8000  }
0x10d: {  	[sflag:s16] =	ssyncset.done $0x0  }
0x10e: {  	s0 =	sadd.s32 $0x3000, s0;
	[sflag:s16] =	ssyncadd.s32 $0xFFFF8000  }
0x10f: {  	[hbm4b:s0+s3] =	stream.linear.scatter [tilespmem:s14], [sflag:$0x4], $0x8000, $0x38;
	[tilespmem:$0x18400] =	vst v63  }
0x110: {  	v3 =	vld [tilespmem:s31+$0xFFFFFFF0];
	_ =	sdelay $0x4  }
0x111: {  	v62 =	vshll.u32 v3, $0x3  }
0x112: {  	v3 =	vand.u32 $0x7, v3;
	v4 =	vand.u32 $0xFFFFFFC0, v62  }
0x113: {  	v3 =	vor.u32 v3, v4  }
0x114: {  	v4 =	vperm.xlane v3, v0;
	_ =	sdelay $0x1  }
0x115: {  	v4 =	vadd.s32 v1, v4;
	_ =	sdelay $0x4  }
0x116: {  	[tilespmem:s2], [sflag:$0x3] =	stream.indirect_vreg.gather [hbm4b:s1+s3], $0x80, v4, vm0, $0xb8;
	[tilespmem:$0x18400] =	vst v63  }
0x117: {  	s14 =	simm.s32 $0x10C00;
	v3 =	vperm.xlane v3, v2  }
0x118: {  	[tilespmem:s14], [sflag:$0x3] =	stream.indirect_vreg.gather [hbm4b:s5+s3], $0x80, v4, vm0, $0xb8;
	[tilespmem:$0x18400] =	vst v63  }
0x119: {  	s19 =	simm.s32 $0x11400;
	v3 =	vadd.s32 v1, v3  }
0x11a: {  	[tilespmem:s19], [sflag:$0x3] =	stream.indirect_vreg.gather [hbm4b:s6+s3], $0x80, v4, vm0, $0xb8;
	[tilespmem:$0x18400] =	vst v63  }
0x11b: {  	_ = 	snop  }
0x11c: {  	[tilespmem:s21], [sflag:$0x3] =	stream.indirect_vreg.gather [hbm4b:s8+s3], $0x80, v4, vm0, $0xb8;
	[tilespmem:$0x18400] =	vst v63  }
0x11d: {  	_ = 	snop  }
0x11e: {  	[tilespmem:s15], [sflag:$0x3] =	stream.indirect_vreg.gather [hbm4b:s1+s3], $0x80, v3, vm0, $0xb8;
	[tilespmem:$0x18400] =	vst v63  }
0x11f: {  	_ = 	snop  }
0x120: {  	[tilespmem:s22], [sflag:$0x3] =	stream.indirect_vreg.gather [hbm4b:s5+s3], $0x80, v3, vm0, $0xb8;
	[tilespmem:$0x18400] =	vst v63  }
0x121: {  	_ = 	snop  }
0x122: {  	[tilespmem:s4], [sflag:$0x3] =	stream.indirect_vreg.gather [hbm4b:s6+s3], $0x80, v3, vm0, $0xb8;
	[tilespmem:$0x18400] =	vst v63  }
0x123: {  	_ = 	snop  }
0x124: {  	[tilespmem:s23], [sflag:$0x3] =	stream.indirect_vreg.gather [hbm4b:s8+s3], $0x80, v3, vm0, $0xb8;
	[tilespmem:$0x18400] =	vst v63  }
0x125: {  	v3 =	vld [tilespmem:s31+$0x0];
	_ =	sdelay $0x4  }
0x126: {  	v63 =	vshll.u32 v3, $0x3  }
0x127: {  	v3 =	vand.u32 $0x7, v3;
	v4 =	vand.u32 $0xFFFFFFC0, v63  }
0x128: {  	v3 =	vor.u32 v3, v4  }
0x129: {  	v4 =	vperm.xlane v3, v0;
	_ =	sdelay $0x1  }
0x12a: {  	v4 =	vadd.s32 v1, v4;
	_ =	sdelay $0x4  }
0x12b: {  	[tilespmem:s9], [sflag:$0x3] =	stream.indirect_vreg.gather [hbm4b:s1+s3], $0x80, v4, vm0, $0xb8;
	[tilespmem:$0x18400] =	vst v63  }
0x12c: {  	v3 =	vperm.xlane v3, v2  }
0x12d: {  	[tilespmem:s10], [sflag:$0x3] =	stream.indirect_vreg.gather [hbm4b:s5+s3], $0x80, v4, vm0, $0xb8;
	[tilespmem:$0x18400] =	vst v63  }
0x12e: {  	v3 =	vadd.s32 v1, v3  }
0x12f: {  	[tilespmem:s11], [sflag:$0x3] =	stream.indirect_vreg.gather [hbm4b:s6+s3], $0x80, v4, vm0, $0xb8;
	[tilespmem:$0x18400] =	vst v63  }
0x130: {  	_ = 	snop  }
0x131: {  	[tilespmem:s26], [sflag:$0x3] =	stream.indirect_vreg.gather [hbm4b:s8+s3], $0x80, v4, vm0, $0xb8;
	[tilespmem:$0x18400] =	vst v63  }
0x132: {  	_ = 	snop  }
0x133: {  	[tilespmem:s12], [sflag:$0x3] =	stream.indirect_vreg.gather [hbm4b:s1+s3], $0x80, v3, vm0, $0xb8;
	[tilespmem:$0x18400] =	vst v63  }
0x134: {  	p0 =	sne.s32 s18, $0x18000  }
0x135: {  	[tilespmem:s28], [sflag:$0x3] =	stream.indirect_vreg.gather [hbm4b:s5+s3], $0x80, v3, vm0, $0xb8;
	[tilespmem:$0x18400] =	vst v63  }
.Ltmp0:
0x136: {  	_ = 	snop;
	(pc) =	sbr.rel @p0 .LBB2_2-.Ltmp0, $4  }
0x137: {  	_ = 	snop  }
0x138: {  	[tilespmem:s17], [sflag:$0x3] =	stream.indirect_vreg.gather [hbm4b:s6+s3], $0x80, v3, vm0, $0xb8;
	[tilespmem:$0x18400] =	vst v63  }
0x139: {  	s18 =	sadd.s32 $0x3000, s18;
	s25 =	simm.s32 $0x10400;
	s31 =	sadd.s32 $0x60, s31  }
0x13a: {  	[tilespmem:s20], [sflag:$0x3] =	stream.indirect_vreg.gather [hbm4b:s8+s3], $0x80, v3, vm0, $0xb8;
	[tilespmem:$0x18400] =	vst v63  }
0x13b: {  	_ =	swait.ge [sflag:s13], $0x8000  }
0x13c: {  	[sflag:s13] =	ssyncset.done $0x0  }
0x13d: {  	[sflag:s13] =	ssyncadd.s32 $0xFFFF8000  }
0x13e: {  	_ =	swait.ge [sflag:s29], $0x8000  }
0x13f: {  	[sflag:s29] =	ssyncset.done $0x0  }
0x140: {  	s4 =	simm.s32 $0x8400;
	s0 =	rddreg [dreg:$0x7];
	[sflag:s29] =	ssyncadd.s32 $0xFFFF8000  }
0x141: {  	[hbm4b:s0+s3] =	stream.linear.scatter [tilespmem:s4], [sflag:$0x5], $0x8000, $0x38;
	[tilespmem:$0x18400] =	vst v63  }
0x142: {  	v3 =	vld [tilespmem:$0x3C0];
	_ =	sdelay $0x4  }
0x143: {  	v4 =	vshll.u32 v3, $0x3  }
0x144: {  	v3 =	vand.u32 $0x7, v3;
	v4 =	vand.u32 $0xFFFFFFC0, v4  }
0x145: {  	v3 =	vor.u32 v3, v4  }
0x146: {  	v4 =	vperm.xlane v3, v0;
	_ =	sdelay $0x1  }
0x147: {  	v4 =	vadd.s32 v1, v4;
	_ =	sdelay $0x3  }
0x148: {  	s2 =	simm.s32 $0x400  }
0x149: {  	[tilespmem:s2], [sflag:$0x1] =	stream.indirect_vreg.gather [hbm4b:s1+s3], $0x80, v4, vm0, $0xb8;
	[tilespmem:$0x18400] =	vst v63  }
0x14a: {  	s19 =	simm.s32 $0xC00;
	v3 =	vperm.xlane v3, v2  }
0x14b: {  	[tilespmem:s19], [sflag:$0x1] =	stream.indirect_vreg.gather [hbm4b:s5+s3], $0x80, v4, vm0, $0xb8;
	[tilespmem:$0x18400] =	vst v63  }
0x14c: {  	s20 =	simm.s32 $0x1400;
	v3 =	vadd.s32 v1, v3  }
0x14d: {  	[tilespmem:s20], [sflag:$0x1] =	stream.indirect_vreg.gather [hbm4b:s6+s3], $0x80, v4, vm0, $0xb8;
	[tilespmem:$0x18400] =	vst v63  }
0x14e: {  	s21 =	simm.s32 $0x1C00  }
0x14f: {  	[tilespmem:s21], [sflag:$0x1] =	stream.indirect_vreg.gather [hbm4b:s8+s3], $0x80, v4, vm0, $0xb8;
	[tilespmem:$0x18400] =	vst v63  }
0x150: {  	s22 =	simm.s32 $0x2400  }
0x151: {  	[tilespmem:s22], [sflag:$0x1] =	stream.indirect_vreg.gather [hbm4b:s1+s3], $0x80, v3, vm0, $0xb8;
	[tilespmem:$0x18400] =	vst v63  }
0x152: {  	s23 =	simm.s32 $0x2C00  }
0x153: {  	[tilespmem:s23], [sflag:$0x1] =	stream.indirect_vreg.gather [hbm4b:s5+s3], $0x80, v3, vm0, $0xb8;
	[tilespmem:$0x18400] =	vst v63  }
0x154: {  	s26 =	simm.s32 $0x3400  }
0x155: {  	[tilespmem:s26], [sflag:$0x1] =	stream.indirect_vreg.gather [hbm4b:s6+s3], $0x80, v3, vm0, $0xb8;
	[tilespmem:$0x18400] =	vst v63  }
0x156: {  	s9 =	simm.s32 $0x3C00  }
0x157: {  	[tilespmem:s9], [sflag:$0x1] =	stream.indirect_vreg.gather [hbm4b:s8+s3], $0x80, v3, vm0, $0xb8;
	[tilespmem:$0x18400] =	vst v63  }
0x158: {  	v3 =	vld [tilespmem:$0x3D0];
	_ =	sdelay $0x4  }
0x159: {  	v61 =	vshll.u32 v3, $0x3  }
0x15a: {  	v3 =	vand.u32 $0x7, v3;
	v4 =	vand.u32 $0xFFFFFFC0, v61  }
0x15b: {  	v3 =	vor.u32 v3, v4  }
0x15c: {  	v4 =	vperm.xlane v3, v0;
	_ =	sdelay $0x1  }
0x15d: {  	v4 =	vadd.s32 v1, v4;
	_ =	sdelay $0x3  }
0x15e: {  	s10 =	simm.s32 $0x4400  }
0x15f: {  	[tilespmem:s10], [sflag:$0x1] =	stream.indirect_vreg.gather [hbm4b:s1+s3], $0x80, v4, vm0, $0xb8;
	[tilespmem:$0x18400] =	vst v63  }
0x160: {  	s11 =	simm.s32 $0x4C00;
	v3 =	vperm.xlane v3, v2  }
0x161: {  	[tilespmem:s11], [sflag:$0x1] =	stream.indirect_vreg.gather [hbm4b:s5+s3], $0x80, v4, vm0, $0xb8;
	[tilespmem:$0x18400] =	vst v63  }
0x162: {  	s12 =	simm.s32 $0x5400;
	v3 =	vadd.s32 v1, v3  }
0x163: {  	[tilespmem:s12], [sflag:$0x1] =	stream.indirect_vreg.gather [hbm4b:s6+s3], $0x80, v4, vm0, $0xb8;
	[tilespmem:$0x18400] =	vst v63  }
0x164: {  	s14 =	simm.s32 $0x5C00  }
0x165: {  	[tilespmem:s14], [sflag:$0x1] =	stream.indirect_vreg.gather [hbm4b:s8+s3], $0x80, v4, vm0, $0xb8;
	[tilespmem:$0x18400] =	vst v63  }
0x166: {  	s15 =	simm.s32 $0x6400  }
0x167: {  	[tilespmem:s15], [sflag:$0x1] =	stream.indirect_vreg.gather [hbm4b:s1+s3], $0x80, v3, vm0, $0xb8;
	[tilespmem:$0x18400] =	vst v63  }
0x168: {  	s17 =	simm.s32 $0x6C00  }
0x169: {  	[tilespmem:s17], [sflag:$0x1] =	stream.indirect_vreg.gather [hbm4b:s5+s3], $0x80, v3, vm0, $0xb8;
	[tilespmem:$0x18400] =	vst v63  }
0x16a: {  	s18 =	simm.s32 $0x7400  }
0x16b: {  	[tilespmem:s18], [sflag:$0x1] =	stream.indirect_vreg.gather [hbm4b:s6+s3], $0x80, v3, vm0, $0xb8;
	[tilespmem:$0x18400] =	vst v63  }
0x16c: {  	s19 =	simm.s32 $0x7C00  }
0x16d: {  	[tilespmem:s19], [sflag:$0x1] =	stream.indirect_vreg.gather [hbm4b:s8+s3], $0x80, v3, vm0, $0xb8;
	[tilespmem:$0x18400] =	vst v63  }
0x16e: {  	_ =	swait.ge [sflag:s7], $0x8000  }
0x16f: {  	[sflag:s7] =	ssyncset.done $0x0  }
0x170: {  	[sflag:s7] =	ssyncadd.s32 $0xFFFF8000  }
0x171: {  	_ =	swait.ge [sflag:s30], $0x8000  }
0x172: {  	[sflag:s30] =	ssyncset.done $0x0  }
0x173: {  	s20 =	rddreg [dreg:$0x8];
	[sflag:s30] =	ssyncadd.s32 $0xFFFF8000  }
0x174: {  	[hbm4b:s20+s3] =	stream.linear.scatter [tilespmem:s25], [sflag:$0x6], $0x8000, $0x38;
	[tilespmem:$0x18400] =	vst v63  }
0x175: {  	v3 =	vld [tilespmem:$0x3E0];
	_ =	sdelay $0x4  }
0x176: {  	v62 =	vshll.u32 v3, $0x3  }
0x177: {  	v3 =	vand.u32 $0x7, v3;
	v4 =	vand.u32 $0xFFFFFFC0, v62  }
0x178: {  	v3 =	vor.u32 v3, v4  }
0x179: {  	v4 =	vperm.xlane v3, v0;
	_ =	sdelay $0x1  }
0x17a: {  	v4 =	vadd.s32 v1, v4;
	_ =	sdelay $0x4  }
0x17b: {  	[tilespmem:s4], [sflag:$0x2] =	stream.indirect_vreg.gather [hbm4b:s1+s3], $0x80, v4, vm0, $0xb8;
	[tilespmem:$0x18400] =	vst v63  }
0x17c: {  	s21 =	simm.s32 $0x8C00;
	v3 =	vperm.xlane v3, v2  }
0x17d: {  	[tilespmem:s21], [sflag:$0x2] =	stream.indirect_vreg.gather [hbm4b:s5+s3], $0x80, v4, vm0, $0xb8;
	[tilespmem:$0x18400] =	vst v63  }
0x17e: {  	s22 =	simm.s32 $0x9400;
	v3 =	vadd.s32 v1, v3  }
0x17f: {  	[tilespmem:s22], [sflag:$0x2] =	stream.indirect_vreg.gather [hbm4b:s6+s3], $0x80, v4, vm0, $0xb8;
	[tilespmem:$0x18400] =	vst v63  }
0x180: {  	s23 =	simm.s32 $0x9C00  }
0x181: {  	[tilespmem:s23], [sflag:$0x2] =	stream.indirect_vreg.gather [hbm4b:s8+s3], $0x80, v4, vm0, $0xb8;
	[tilespmem:$0x18400] =	vst v63  }
0x182: {  	s26 =	simm.s32 $0xA400  }
0x183: {  	[tilespmem:s26], [sflag:$0x2] =	stream.indirect_vreg.gather [hbm4b:s1+s3], $0x80, v3, vm0, $0xb8;
	[tilespmem:$0x18400] =	vst v63  }
0x184: {  	s9 =	simm.s32 $0xAC00  }
0x185: {  	[tilespmem:s9], [sflag:$0x2] =	stream.indirect_vreg.gather [hbm4b:s5+s3], $0x80, v3, vm0, $0xb8;
	[tilespmem:$0x18400] =	vst v63  }
0x186: {  	s10 =	simm.s32 $0xB400  }
0x187: {  	[tilespmem:s10], [sflag:$0x2] =	stream.indirect_vreg.gather [hbm4b:s6+s3], $0x80, v3, vm0, $0xb8;
	[tilespmem:$0x18400] =	vst v63  }
0x188: {  	s11 =	simm.s32 $0xBC00  }
0x189: {  	[tilespmem:s11], [sflag:$0x2] =	stream.indirect_vreg.gather [hbm4b:s8+s3], $0x80, v3, vm0, $0xb8;
	[tilespmem:$0x18400] =	vst v63  }
0x18a: {  	v3 =	vld [tilespmem:$0x3F0];
	_ =	sdelay $0x4  }
0x18b: {  	v63 =	vshll.u32 v3, $0x3  }
0x18c: {  	v3 =	vand.u32 $0x7, v3;
	v4 =	vand.u32 $0xFFFFFFC0, v63  }
0x18d: {  	v3 =	vor.u32 v3, v4  }
0x18e: {  	v4 =	vperm.xlane v3, v0;
	_ =	sdelay $0x1  }
0x18f: {  	v4 =	vadd.s32 v1, v4;
	_ =	sdelay $0x3  }
0x190: {  	s12 =	simm.s32 $0xC400  }
0x191: {  	[tilespmem:s12], [sflag:$0x2] =	stream.indirect_vreg.gather [hbm4b:s1+s3], $0x80, v4, vm0, $0xb8;
	[tilespmem:$0x18400] =	vst v63  }
0x192: {  	s14 =	simm.s32 $0xCC00;
	v3 =	vperm.xlane v3, v2  }
0x193: {  	[tilespmem:s14], [sflag:$0x2] =	stream.indirect_vreg.gather [hbm4b:s5+s3], $0x80, v4, vm0, $0xb8;
	[tilespmem:$0x18400] =	vst v63  }
0x194: {  	s15 =	simm.s32 $0xD400;
	v3 =	vadd.s32 v1, v3  }
0x195: {  	[tilespmem:s15], [sflag:$0x2] =	stream.indirect_vreg.gather [hbm4b:s6+s3], $0x80, v4, vm0, $0xb8;
	[tilespmem:$0x18400] =	vst v63  }
0x196: {  	s17 =	simm.s32 $0xDC00  }
0x197: {  	[tilespmem:s17], [sflag:$0x2] =	stream.indirect_vreg.gather [hbm4b:s8+s3], $0x80, v4, vm0, $0xb8;
	[tilespmem:$0x18400] =	vst v63  }
0x198: {  	s18 =	simm.s32 $0xE400  }
0x199: {  	[tilespmem:s18], [sflag:$0x2] =	stream.indirect_vreg.gather [hbm4b:s1+s3], $0x80, v3, vm0, $0xb8;
	[tilespmem:$0x18400] =	vst v63  }
0x19a: {  	s19 =	simm.s32 $0xEC00  }
0x19b: {  	[tilespmem:s19], [sflag:$0x2] =	stream.indirect_vreg.gather [hbm4b:s5+s3], $0x80, v3, vm0, $0xb8;
	[tilespmem:$0x18400] =	vst v63  }
0x19c: {  	s20 =	simm.s32 $0xF400  }
0x19d: {  	[tilespmem:s20], [sflag:$0x2] =	stream.indirect_vreg.gather [hbm4b:s6+s3], $0x80, v3, vm0, $0xb8;
	[tilespmem:$0x18400] =	vst v63  }
0x19e: {  	s21 =	simm.s32 $0xFC00  }
0x19f: {  	[tilespmem:s21], [sflag:$0x2] =	stream.indirect_vreg.gather [hbm4b:s8+s3], $0x80, v3, vm0, $0xb8;
	[tilespmem:$0x18400] =	vst v63  }
0x1a0: {  	_ =	swait.ge [sflag:s24], $0x8000  }
0x1a1: {  	[sflag:s24] =	ssyncset.done $0x0  }
0x1a2: {  	[sflag:s24] =	ssyncadd.s32 $0xFFFF8000  }
0x1a3: {  	_ =	swait.ge [sflag:s16], $0x8000  }
0x1a4: {  	[sflag:s16] =	ssyncset.done $0x0  }
0x1a5: {  	s22 =	rddreg [dreg:$0x9];
	[sflag:s16] =	ssyncadd.s32 $0xFFFF8000  }
0x1a6: {  	[hbm4b:s22+s3] =	stream.linear.scatter [tilespmem:s2], [sflag:$0x4], $0x8000, $0x38;
	[tilespmem:$0x18400] =	vst v63  }
0x1a7: {  	_ =	swait.ge [sflag:s13], $0x8000  }
0x1a8: {  	[sflag:s13] =	ssyncset.done $0x0  }
0x1a9: {  	[sflag:s13] =	ssyncadd.s32 $0xFFFF8000  }
0x1aa: {  	_ =	swait.ge [sflag:s29], $0x8000  }
0x1ab: {  	[sflag:s29] =	ssyncset.done $0x0  }
0x1ac: {  	s23 =	rddreg [dreg:$0xa];
	[sflag:s29] =	ssyncadd.s32 $0xFFFF8000  }
0x1ad: {  	[hbm4b:s23+s3] =	stream.linear.scatter [tilespmem:s4], [sflag:$0x5], $0x8000, $0x38;
	[tilespmem:$0x18400] =	vst v63  }
0x1ae: {  	_ =	swait.ge [sflag:s30], $0x8000  }
0x1af: {  	s14 =	rddreg [dreg:$0xc]  }
0x1b0: {  	s31 =	simm.s32 $0x8400;
	s26 =	rddreg [dreg:$0xb];
	s14 =	sadd.s32 $0x1, s14  }
0x1b1: {  	s28 =	simm.s32 $0x16C00;
	s9 =	simm.s32 $0x14400;
	p0 =	sne.s32 s14, s26  }
.Ltmp1:
0x1b2: {  	s10 =	simm.s32 $0x14C00;
	s11 =	simm.s32 $0x15400;
	(pc) =	sbr.rel @p0 .LBB2_1-.Ltmp1, $4  }
0x1b3: {  	s12 =	simm.s32 $0x16400;
	s15 =	simm.s32 $0x12400;
	s17 =	simm.s32 $0x17400  }
0x1b4: {  	s20 =	simm.s32 $0x11400;
	s21 =	simm.s32 $0x11C00;
	s2 =	simm.s32 $0x10C00  }
0x1b5: {  	s22 =	simm.s32 $0x12C00;
	s4 =	simm.s32 $0x13400;
	[sflag:s30] =	ssyncset.done $0x0  }
0x1b6: {  	s23 =	simm.s32 $0x13C00;
	[sflag:s30] =	ssyncadd.s32 $0xFFFF8000;
	s26 =	simm.s32 $0x15C00  }
0x1b7: {  	_ =	sfence.sel $0x180000  }
0x1b8: {  	[bflag:$0x0] =	sbarrier.arrive $0xFFFF  }
0x1b9: {  	_ =	strace $0x90000047  }
0x1ba: {  	s0 =	stileid.u32;
	[bflag:$0x2] =	sbarrier.arrive $0xFFFF  }
0x1bb: {  	p0 =	sne.s32 s0, $0x0;
	s0 =	rddreg [dreg:$0x3]  }
0x1bc: {  	s0 =	sadd.s32 @!p0 $0x100000, s0  }
0x1bd: {  	[sflag:s0] =	ssyncadd.tile.s32 @!p0 $0x1;
	_ =	shalt  }
.Lfunc_end2:
_tile_overlayer_lowered:
.L_overlay_start_2:
0x1be: {  	(tag) =	ssettag $0x2  }
0x1bf: {  	s0 =	rddreg [dreg:$0x0];
	s2 =	stileid.u32  }
0x1c0: {  	s1 =	rddreg [dreg:$0x1];
	p0 =	sne.s32 s2, $0x0  }
0x1c1: {  	s3 =	rddreg [dreg:$0x2];
	[bflag:$0x3] =	sbarrier.arrive $0xFFFF;
	s2 =	simm.s32 @!p0 $0x1C07  }
0x1c2: {  	[timem:s3], [sflag:s2] =	dma.local @!p0 [hbm:s0], s1  }
0x1c3: {  	s0 =	simm.s32 @!p0 $0x7  }
0x1c4: {  	_ =	swait.ge @!p0 [sflag:s0], s1  }
0x1c5: {  	s1 =	ssub.s32 @!p0 $0x0, s1;
	[sflag:s0] =	ssyncset.done @!p0 $0x0  }
0x1c6: {  	[sflag:s0] =	ssyncadd.s32 @!p0 s1  }
0x1c7: {  	[bflag:$0x3] =	sbarrier.arrive $0xFFFF  }
0x1c8: {  	_ =	shalt  }

</sc_bundles>
